<compile_context>
chip_gen: v7x
topology: tpu7x:2x2x1
jax: 0.10.2.dev20260603
libtpu: 0.0.44.dev20260713+nightly
codegen_flags: <defaults>
</compile_context>

<pallas_src>
import numpy as np
import jax
import jax.numpy as jnp
from jax import lax
from jax.experimental import pallas as pl
from jax.experimental.pallas import tpu as pltpu
from jax.experimental.pallas import tpu_sc as plsc

_NW = 32


def _sc_gather(x_flat, table, bsz, seq):
    del bsz, seq
    n = x_flat.shape[0]
    e = table.shape[1]
    bpw = n // _NW
    mesh = plsc.VectorSubcoreMesh(core_axis_name="c", subcore_axis_name="s")

    nck = 4
    ck = bpw // nck

    def body(idx_hbm, table_hbm, out_hbm, idx_v, b0, b1,
             gs0, gs1, ws0, ws1):
        sid = lax.axis_index("s")
        wid = sid * 2 + lax.axis_index("c")
        base = wid * bpw
        pltpu.sync_copy(idx_hbm.at[pl.ds(base, bpw)], idx_v)
        bufs = (b0, b1)
        gsems = (gs0, gs1)
        wsems = (ws0, ws1)
        gops = [None] * nck
        wops = [None] * nck
        for c in range(nck):
            b = c & 1
            if c >= 2:
                wops[c - 2].wait()
            gops[c] = pltpu.async_copy(
                table_hbm.at[idx_v.at[pl.ds(c * ck, ck)]], bufs[b], gsems[b])
            if c >= 1:
                gops[c - 1].wait()
                wops[c - 1] = pltpu.async_copy(
                    bufs[1 - b], out_hbm.at[pl.ds(base + (c - 1) * ck, ck)],
                    wsems[1 - b])
        gops[nck - 1].wait()
        wops[nck - 1] = pltpu.async_copy(
            bufs[(nck - 1) & 1], out_hbm.at[pl.ds(base + (nck - 1) * ck, ck)],
            wsems[(nck - 1) & 1])
        wops[nck - 2].wait()
        wops[nck - 1].wait()

    return pl.kernel(
        body,
        mesh=mesh,
        out_type=jax.ShapeDtypeStruct((n, e), jnp.float32),
        scratch_types=[
            pltpu.VMEM((bpw,), jnp.int32),
            pltpu.VMEM((ck, e), jnp.float32),
            pltpu.VMEM((ck, e), jnp.float32),
            pltpu.SemaphoreType.DMA,
            pltpu.SemaphoreType.DMA,
            pltpu.SemaphoreType.DMA,
            pltpu.SemaphoreType.DMA,
        ],
        compiler_params=pltpu.CompilerParams(use_tc_tiling_on_sc=False),
    )(x_flat, table)


_INV_SQRT_P0 = float(1.0 / np.sqrt(64.0))
_INV_SQRT_P1 = float(1.0 / np.sqrt(32.0))


def _pen_math(emb_ref, W0_ref, b0_ref, P0_ref, P0T_ref, Wp0_ref, bp0_ref,
              W1_ref, b1_ref, P1_ref, P1T_ref, Wp1_ref, bp1_ref,
              Wpen_ref, bpen_ref):
    f32 = jnp.float32
    bb = emb_ref.shape[0] // 25
    z0 = jnp.zeros((bb, W0_ref.shape[1]), f32) + b0_ref[...]
    for j in range(25):
        hj = emb_ref[pl.Slice(j, bb, 25), :]
        z0 = z0 + jnp.dot(hj, W0_ref[pl.ds(128 * j, 128), :],
                          preferred_element_type=f32)
    a0 = jnp.maximum(z0, 0.0)
    s0 = jnp.dot(a0, P0T_ref[...], preferred_element_type=f32) * _INV_SQRT_P0
    e0 = jnp.exp(s0 - jnp.max(s0, axis=-1, keepdims=True))
    attn0 = e0 / jnp.sum(e0, axis=-1, keepdims=True)
    recon0 = jnp.dot(attn0, P0_ref[...], preferred_element_type=f32)
    pred0 = jnp.dot(a0, Wp0_ref[...], preferred_element_type=f32) + bp0_ref[...]

    z1 = jnp.dot(recon0, W1_ref[...], preferred_element_type=f32) + b1_ref[...]
    a1 = jnp.maximum(z1, 0.0)
    s1 = jnp.dot(a1, P1T_ref[...], preferred_element_type=f32) * _INV_SQRT_P1
    e1 = jnp.exp(s1 - jnp.max(s1, axis=-1, keepdims=True))
    attn1 = e1 / jnp.sum(e1, axis=-1, keepdims=True)
    recon1 = jnp.dot(attn1, P1_ref[...], preferred_element_type=f32)
    pred1 = jnp.dot(a1, Wp1_ref[...], preferred_element_type=f32) + bp1_ref[...]

    pen = jnp.maximum(
        jnp.dot(recon1, Wpen_ref[...], preferred_element_type=f32) + bpen_ref[...], 0.0)

    err0 = jnp.mean((pred0 - pen) ** 2, axis=-1, keepdims=True)
    err1 = jnp.mean((pred1 - pen) ** 2, axis=-1, keepdims=True)
    pe8 = jnp.concatenate(
        [err0, err1, jnp.zeros((err0.shape[0], 6), f32)], axis=1)
    return pen, pe8


def _fused_body(emb_ref, W0_ref, b0_ref, P0_ref, P0T_ref, Wp0_ref, bp0_ref,
                W1_ref, b1_ref, P1_ref, P1T_ref, Wp1_ref, bp1_ref,
                Wpen_ref, bpen_ref, waug_ref,
                ot_ref, pe_ref, pen_scr):
    f32 = jnp.float32

    @pl.when(pl.program_id(0) == 0)
    def _():
        pen, pe8 = _pen_math(emb_ref, W0_ref, b0_ref, P0_ref, P0T_ref,
                             Wp0_ref, bp0_ref, W1_ref, b1_ref, P1_ref,
                             P1T_ref, Wp1_ref, bp1_ref, Wpen_ref, bpen_ref)
        pen_scr[...] = jnp.concatenate(
            [pen, jnp.ones((pen.shape[0], 1), f32)], axis=1)
        pe_ref[...] = pe8

    ot_ref[...] = lax.dot_general(
        waug_ref[...], pen_scr[...], (((0,), (1,)), ((), ())),
        preferred_element_type=f32)


def _fused(emb128, W0, b0, P0, Wp0, bp0, W1, b1, P1, Wp1, bp1,
           W_pen, b_pen, w_aug):
    bsz = emb128.shape[0] * 128 // W0.shape[0]
    ka, v = w_aug.shape
    bn = 2048
    full = lambda i: (0, 0)
    return pl.pallas_call(
        _fused_body,
        grid=(pl.cdiv(v, bn),),
        in_specs=[
            pl.BlockSpec(emb128.shape, full),
            pl.BlockSpec(W0.shape, full),
            pl.BlockSpec((1, 64), full),
            pl.BlockSpec(P0.shape, full),
            pl.BlockSpec((64, 8), full),
            pl.BlockSpec(Wp0.shape, full),
            pl.BlockSpec((1, 32), full),
            pl.BlockSpec(W1.shape, full),
            pl.BlockSpec((1, 32), full),
            pl.BlockSpec(P1.shape, full),
            pl.BlockSpec((32, 8), full),
            pl.BlockSpec(Wp1.shape, full),
            pl.BlockSpec((1, 32), full),
            pl.BlockSpec(W_pen.shape, full),
            pl.BlockSpec((1, 32), full),
            pl.BlockSpec((ka, bn), lambda i: (0, i)),
        ],
        out_specs=[
            pl.BlockSpec((bn, bsz), lambda i: (i, 0)),
            pl.BlockSpec((bsz, 8), full),
        ],
        out_shape=[
            jax.ShapeDtypeStruct((v, bsz), jnp.float32),
            jax.ShapeDtypeStruct((bsz, 8), jnp.float32),
        ],
        scratch_shapes=[pltpu.VMEM((bsz, ka), jnp.float32)],
    )(emb128, W0, b0.reshape(1, -1), P0, P0.T, Wp0, bp0.reshape(1, -1),
      W1, b1.reshape(1, -1), P1, P1.T, Wp1, bp1.reshape(1, -1),
      W_pen, b_pen.reshape(1, -1), w_aug)


def kernel(x, emb_table, W0, b0, P0, Wp0, bp0, W1, b1, P1, Wp1, bp1,
           W_pen, b_pen, W_out, b_out):
    bsz, seq = x.shape
    e = emb_table.shape[1]
    x_flat = x.reshape(bsz * seq).astype(jnp.int32)
    rows = _sc_gather(x_flat, emb_table, bsz, seq)
    emb128 = rows.reshape(bsz * seq * e // 128, 128)
    w_aug = jnp.concatenate([W_out, b_out[None, :]], axis=0)
    out_t, pe = _fused(emb128, W0, b0, P0, Wp0, bp0, W1, b1, P1, Wp1, bp1,
                       W_pen, b_pen, w_aug)
    output = out_t.T
    pred_errors = pe[:, :2].T
    return (output, pred_errors)

# --- scband reference (transcript-rebuilt; emitter-appended) ---
"""Pipeline reference for scband-compositional-paradox-net-text-11338713661881 (READ-ONLY COPY).

The authoritative reference and input builder live on the scoring server;
editing this copy changes nothing except your own understanding.
"""

import jax, jax.numpy as jnp
import numpy as np

VOCAB = 100000
SEQ = 200
EMB = 16
HID = [64, 32]
PEN = 32
NPAT = 8
B = 1024


def setup_inputs(seed: int = 0) -> dict:
    key = jax.random.key(seed)
    ks = jax.random.split(key, 32)
    inp = {}
    inp["x"] = jax.random.randint(ks[0], (B, SEQ), 0, VOCAB, dtype=jnp.int64 if jax.config.jax_enable_x64 else jnp.int32)
    inp["emb_table"] = jax.random.normal(ks[1], (VOCAB, EMB), dtype=jnp.float32) * 0.02
    in_dim = SEQ * EMB
    dims = [in_dim] + HID
    ki = 2
    for i in range(len(HID)):
        fan_in = dims[i]
        inp[f"W{i}"] = jax.random.normal(ks[ki], (dims[i], dims[i + 1]), dtype=jnp.float32) * (1.0 / np.sqrt(fan_in)); ki += 1
        inp[f"b{i}"] = jnp.zeros((dims[i + 1],), dtype=jnp.float32)
        inp[f"P{i}"] = jax.random.normal(ks[ki], (NPAT, dims[i + 1]), dtype=jnp.float32) * 0.1; ki += 1
        inp[f"Wp{i}"] = jax.random.normal(ks[ki], (dims[i + 1], PEN), dtype=jnp.float32) * (1.0 / np.sqrt(dims[i + 1])); ki += 1
        inp[f"bp{i}"] = jnp.zeros((PEN,), dtype=jnp.float32)
    inp["W_pen"] = jax.random.normal(ks[ki], (HID[-1], PEN), dtype=jnp.float32) * (1.0 / np.sqrt(HID[-1])); ki += 1
    inp["b_pen"] = jnp.zeros((PEN,), dtype=jnp.float32)
    inp["W_out"] = jax.random.normal(ks[ki], (PEN, VOCAB), dtype=jnp.float32) * (1.0 / np.sqrt(PEN)); ki += 1
    inp["b_out"] = jnp.zeros((VOCAB,), dtype=jnp.float32)
    return inp


def reference(x, emb_table, W0, b0, P0, Wp0, bp0, W1, b1, P1, Wp1, bp1, W_pen, b_pen, W_out, b_out):
    # embedding lookup (SparseCore gather)
    emb = jnp.take(emb_table, x, axis=0)  # [B, SEQ, EMB]
    h = emb.reshape(emb.shape[0], -1)  # [B, SEQ*EMB]
    layer_params = [(W0, b0, P0, Wp0, bp0), (W1, b1, P1, Wp1, bp1)]
    preds = []
    for (W, b, P, Wp, bp) in layer_params:
        z = h @ W + b
        a = jax.nn.relu(z)
        # discrete pattern attention: soft-quantize activations onto pattern dictionary
        attn = jax.nn.softmax((a @ P.T) / np.sqrt(P.shape[1]), axis=-1)
        recon = attn @ P
        # each layer predicts the penultimate representation
        preds.append(a @ Wp + bp)
        h = recon
    pen = jax.nn.relu(h @ W_pen + b_pen)
    pen_sg = jax.lax.stop_gradient(pen)
    pred_errors = jnp.stack([jnp.mean((p - pen_sg) ** 2, axis=-1) for p in preds])  # [n_layers, B]
    output = pen @ W_out + b_out  # [B, VOCAB]
    return (output, pred_errors)

if __name__ == "__main__":
    import jax
    _d = setup_inputs()
    print(jax.jit(kernel)(*tuple(_d.values())))

</pallas_src>

<mosaic_0001>
#map = affine_map<(d0, d1) -> (0)>
#map1 = affine_map<(d0, d1) -> (0, 0)>
module attributes {stable_mosaic.version = 14 : i64} {
  func.func @body(%arg0: i32, %arg1: i32, %arg2: memref<204800xi32, #tpu.memory_space<hbm>>, %arg3: memref<100000x16xf32, #tpu.memory_space<hbm>>, %arg4: memref<204800x16xf32, #tpu.memory_space<hbm>>, %arg5: memref<6400xi32, #tpu.memory_space<vmem>>, %arg6: memref<1600x16xf32, #tpu.memory_space<vmem>>, %arg7: memref<1600x16xf32, #tpu.memory_space<vmem>>, %arg8: memref<!tpu.dma_semaphore, #tpu.memory_space<semaphore_mem>>, %arg9: memref<!tpu.dma_semaphore, #tpu.memory_space<semaphore_mem>>, %arg10: memref<!tpu.dma_semaphore, #tpu.memory_space<semaphore_mem>>, %arg11: memref<!tpu.dma_semaphore, #tpu.memory_space<semaphore_mem>>) attributes {dimension_semantics = [#tpu.dimension_semantics<core_parallel>, #tpu.dimension_semantics<subcore_parallel>], iteration_bounds = array<i64: 2, 16>, scalar_prefetch = 0 : i64, scratch_operands = 7 : i64, tpu.core_type = #tpu.core_type<sc_vector_subcore>, window_params = [{transform_indices = #map}, {transform_indices = #map1}, {transform_indices = #map1}]} {
    %mul3A = arith.constant 2 : i32
    %mul3A_0 = arith.muli %arg1, %mul3A : i32
    %add3A = arith.addi %mul3A_0, %arg0 : i32
    %mul3A_1 = arith.constant 6400 : i32
    %mul3A_2 = arith.muli %add3A, %mul3A_1 : i32
    "tpu.region"() ({
      %run_scoped3A = tpu.sem_alloc : memref<!tpu.dma_semaphore, #tpu.memory_space<semaphore_mem>>
      %dma_start3A_81 = tpu.memref_slice %arg2[%mul3A_2] : memref<204800xi32, #tpu.memory_space<hbm>> -> memref<6400xi32, #tpu.memory_space<hbm>>
      %dma_start3A_82 = tpu.memref_slice %arg2[%mul3A_2] : memref<204800xi32, #tpu.memory_space<hbm>> -> memref<6400xi32, #tpu.memory_space<hbm>>
      tpu.enqueue_dma source(%dma_start3A_82 : memref<6400xi32, #tpu.memory_space<hbm>>) target(%arg5 : memref<6400xi32, #tpu.memory_space<vmem>>) target_semaphore(%run_scoped3A : memref<!tpu.dma_semaphore, #tpu.memory_space<semaphore_mem>>)
      %dma_wait3A_83 = tpu.memref_slice %arg2[%mul3A_2] : memref<204800xi32, #tpu.memory_space<hbm>> -> memref<6400xi32, #tpu.memory_space<hbm>>
      %dma_wait3A_84 = tpu.memref_slice %arg2[%mul3A_2] : memref<204800xi32, #tpu.memory_space<hbm>> -> memref<6400xi32, #tpu.memory_space<hbm>>
      tpu.wait_dma2 semaphore(%run_scoped3A : memref<!tpu.dma_semaphore, #tpu.memory_space<semaphore_mem>>) src(%dma_wait3A_84 : memref<6400xi32, #tpu.memory_space<hbm>>) dst(%arg5 : memref<6400xi32, #tpu.memory_space<vmem>>)
      tpu.yield
    }) : () -> ()
    %dma_start3A = arith.constant 0 : i32
    %dma_start3A_3 = tpu.memref_slice %arg5[%dma_start3A] : memref<6400xi32, #tpu.memory_space<vmem>> -> memref<1600xi32, #tpu.memory_space<vmem>>
    %dma_start3A_4 = arith.constant 0 : i32
    %dma_start3A_5 = arith.constant 0 : i32
    %dma_start3A_6 = tpu.memref_slice %arg3[%dma_start3A_4, %dma_start3A_5] : memref<100000x16xf32, #tpu.memory_space<hbm>> -> memref<100000x16xf32, #tpu.memory_space<hbm>>
    tpu.enqueue_indirect_dma source(%dma_start3A_6 : memref<100000x16xf32, #tpu.memory_space<hbm>>) target(%arg6 : memref<1600x16xf32, #tpu.memory_space<vmem>>) offsets(%dma_start3A_3 : memref<1600xi32, #tpu.memory_space<vmem>>) semaphore(%arg8 : memref<!tpu.dma_semaphore, #tpu.memory_space<semaphore_mem>>)
    %dma_start3A_7 = arith.constant 1600 : i32
    %dma_start3A_8 = tpu.memref_slice %arg5[%dma_start3A_7] : memref<6400xi32, #tpu.memory_space<vmem>> -> memref<1600xi32, #tpu.memory_space<vmem>>
    %dma_start3A_9 = arith.constant 0 : i32
    %dma_start3A_10 = arith.constant 0 : i32
    %dma_start3A_11 = tpu.memref_slice %arg3[%dma_start3A_9, %dma_start3A_10] : memref<100000x16xf32, #tpu.memory_space<hbm>> -> memref<100000x16xf32, #tpu.memory_space<hbm>>
    tpu.enqueue_indirect_dma source(%dma_start3A_11 : memref<100000x16xf32, #tpu.memory_space<hbm>>) target(%arg7 : memref<1600x16xf32, #tpu.memory_space<vmem>>) offsets(%dma_start3A_8 : memref<1600xi32, #tpu.memory_space<vmem>>) semaphore(%arg9 : memref<!tpu.dma_semaphore, #tpu.memory_space<semaphore_mem>>)
    %dma_wait3A = arith.constant 0 : i32
    %dma_wait3A_12 = tpu.memref_slice %arg5[%dma_wait3A] : memref<6400xi32, #tpu.memory_space<vmem>> -> memref<1600xi32, #tpu.memory_space<vmem>>
    %dma_wait3A_13 = arith.constant 0 : i32
    %dma_wait3A_14 = arith.constant 0 : i32
    %dma_wait3A_15 = tpu.memref_slice %arg3[%dma_wait3A_13, %dma_wait3A_14] : memref<100000x16xf32, #tpu.memory_space<hbm>> -> memref<100000x16xf32, #tpu.memory_space<hbm>>
    tpu.wait_indirect_dma semaphore(%arg8 : memref<!tpu.dma_semaphore, #tpu.memory_space<semaphore_mem>>) src(%dma_wait3A_15 : memref<100000x16xf32, #tpu.memory_space<hbm>>) dst(%arg6 : memref<1600x16xf32, #tpu.memory_space<vmem>>)
    %add3A_16 = arith.constant 0 : i32
    %add3A_17 = arith.addi %mul3A_2, %add3A_16 : i32
    %dma_start3A_18 = arith.constant 0 : i32
    %dma_start3A_19 = tpu.memref_slice %arg4[%add3A_17, %dma_start3A_18] : memref<204800x16xf32, #tpu.memory_space<hbm>> -> memref<1600x16xf32, #tpu.memory_space<hbm>>
    %dma_start3A_20 = arith.constant 0 : i32
    %dma_start3A_21 = tpu.memref_slice %arg4[%add3A_17, %dma_start3A_20] : memref<204800x16xf32, #tpu.memory_space<hbm>> -> memref<1600x16xf32, #tpu.memory_space<hbm>>
    tpu.enqueue_dma source(%arg6 : memref<1600x16xf32, #tpu.memory_space<vmem>>) target(%dma_start3A_21 : memref<1600x16xf32, #tpu.memory_space<hbm>>) target_semaphore(%arg10 : memref<!tpu.dma_semaphore, #tpu.memory_space<semaphore_mem>>)
    %dma_wait3A_22 = arith.constant 0 : i32
    %dma_wait3A_23 = tpu.memref_slice %arg4[%add3A_17, %dma_wait3A_22] : memref<204800x16xf32, #tpu.memory_space<hbm>> -> memref<1600x16xf32, #tpu.memory_space<hbm>>
    %dma_wait3A_24 = arith.constant 0 : i32
    %dma_wait3A_25 = tpu.memref_slice %arg4[%add3A_17, %dma_wait3A_24] : memref<204800x16xf32, #tpu.memory_space<hbm>> -> memref<1600x16xf32, #tpu.memory_space<hbm>>
    tpu.wait_dma2 semaphore(%arg10 : memref<!tpu.dma_semaphore, #tpu.memory_space<semaphore_mem>>) src(%arg6 : memref<1600x16xf32, #tpu.memory_space<vmem>>) dst(%dma_wait3A_25 : memref<1600x16xf32, #tpu.memory_space<hbm>>)
    %dma_start3A_26 = arith.constant 3200 : i32
    %dma_start3A_27 = tpu.memref_slice %arg5[%dma_start3A_26] : memref<6400xi32, #tpu.memory_space<vmem>> -> memref<1600xi32, #tpu.memory_space<vmem>>
    %dma_start3A_28 = arith.constant 0 : i32
    %dma_start3A_29 = arith.constant 0 : i32
    %dma_start3A_30 = tpu.memref_slice %arg3[%dma_start3A_28, %dma_start3A_29] : memref<100000x16xf32, #tpu.memory_space<hbm>> -> memref<100000x16xf32, #tpu.memory_space<hbm>>
    tpu.enqueue_indirect_dma source(%dma_start3A_30 : memref<100000x16xf32, #tpu.memory_space<hbm>>) target(%arg6 : memref<1600x16xf32, #tpu.memory_space<vmem>>) offsets(%dma_start3A_27 : memref<1600xi32, #tpu.memory_space<vmem>>) semaphore(%arg8 : memref<!tpu.dma_semaphore, #tpu.memory_space<semaphore_mem>>)
    %dma_wait3A_31 = arith.constant 1600 : i32
    %dma_wait3A_32 = tpu.memref_slice %arg5[%dma_wait3A_31] : memref<6400xi32, #tpu.memory_space<vmem>> -> memref<1600xi32, #tpu.memory_space<vmem>>
    %dma_wait3A_33 = arith.constant 0 : i32
    %dma_wait3A_34 = arith.constant 0 : i32
    %dma_wait3A_35 = tpu.memref_slice %arg3[%dma_wait3A_33, %dma_wait3A_34] : memref<100000x16xf32, #tpu.memory_space<hbm>> -> memref<100000x16xf32, #tpu.memory_space<hbm>>
    tpu.wait_indirect_dma semaphore(%arg9 : memref<!tpu.dma_semaphore, #tpu.memory_space<semaphore_mem>>) src(%dma_wait3A_35 : memref<100000x16xf32, #tpu.memory_space<hbm>>) dst(%arg7 : memref<1600x16xf32, #tpu.memory_space<vmem>>)
    %add3A_36 = arith.constant 1600 : i32
    %add3A_37 = arith.addi %mul3A_2, %add3A_36 : i32
    %dma_start3A_38 = arith.constant 0 : i32
    %dma_start3A_39 = tpu.memref_slice %arg4[%add3A_37, %dma_start3A_38] : memref<204800x16xf32, #tpu.memory_space<hbm>> -> memref<1600x16xf32, #tpu.memory_space<hbm>>
    %dma_start3A_40 = arith.constant 0 : i32
    %dma_start3A_41 = tpu.memref_slice %arg4[%add3A_37, %dma_start3A_40] : memref<204800x16xf32, #tpu.memory_space<hbm>> -> memref<1600x16xf32, #tpu.memory_space<hbm>>
    tpu.enqueue_dma source(%arg7 : memref<1600x16xf32, #tpu.memory_space<vmem>>) target(%dma_start3A_41 : memref<1600x16xf32, #tpu.memory_space<hbm>>) target_semaphore(%arg11 : memref<!tpu.dma_semaphore, #tpu.memory_space<semaphore_mem>>)
    %dma_wait3A_42 = arith.constant 0 : i32
    %dma_wait3A_43 = tpu.memref_slice %arg4[%add3A_37, %dma_wait3A_42] : memref<204800x16xf32, #tpu.memory_space<hbm>> -> memref<1600x16xf32, #tpu.memory_space<hbm>>
    %dma_wait3A_44 = arith.constant 0 : i32
    %dma_wait3A_45 = tpu.memref_slice %arg4[%add3A_37, %dma_wait3A_44] : memref<204800x16xf32, #tpu.memory_space<hbm>> -> memref<1600x16xf32, #tpu.memory_space<hbm>>
    tpu.wait_dma2 semaphore(%arg11 : memref<!tpu.dma_semaphore, #tpu.memory_space<semaphore_mem>>) src(%arg7 : memref<1600x16xf32, #tpu.memory_space<vmem>>) dst(%dma_wait3A_45 : memref<1600x16xf32, #tpu.memory_space<hbm>>)
    %dma_start3A_46 = arith.constant 4800 : i32
    %dma_start3A_47 = tpu.memref_slice %arg5[%dma_start3A_46] : memref<6400xi32, #tpu.memory_space<vmem>> -> memref<1600xi32, #tpu.memory_space<vmem>>
    %dma_start3A_48 = arith.constant 0 : i32
    %dma_start3A_49 = arith.constant 0 : i32
    %dma_start3A_50 = tpu.memref_slice %arg3[%dma_start3A_48, %dma_start3A_49] : memref<100000x16xf32, #tpu.memory_space<hbm>> -> memref<100000x16xf32, #tpu.memory_space<hbm>>
    tpu.enqueue_indirect_dma source(%dma_start3A_50 : memref<100000x16xf32, #tpu.memory_space<hbm>>) target(%arg7 : memref<1600x16xf32, #tpu.memory_space<vmem>>) offsets(%dma_start3A_47 : memref<1600xi32, #tpu.memory_space<vmem>>) semaphore(%arg9 : memref<!tpu.dma_semaphore, #tpu.memory_space<semaphore_mem>>)
    %dma_wait3A_51 = arith.constant 3200 : i32
    %dma_wait3A_52 = tpu.memref_slice %arg5[%dma_wait3A_51] : memref<6400xi32, #tpu.memory_space<vmem>> -> memref<1600xi32, #tpu.memory_space<vmem>>
    %dma_wait3A_53 = arith.constant 0 : i32
    %dma_wait3A_54 = arith.constant 0 : i32
    %dma_wait3A_55 = tpu.memref_slice %arg3[%dma_wait3A_53, %dma_wait3A_54] : memref<100000x16xf32, #tpu.memory_space<hbm>> -> memref<100000x16xf32, #tpu.memory_space<hbm>>
    tpu.wait_indirect_dma semaphore(%arg8 : memref<!tpu.dma_semaphore, #tpu.memory_space<semaphore_mem>>) src(%dma_wait3A_55 : memref<100000x16xf32, #tpu.memory_space<hbm>>) dst(%arg6 : memref<1600x16xf32, #tpu.memory_space<vmem>>)
    %add3A_56 = arith.constant 3200 : i32
    %add3A_57 = arith.addi %mul3A_2, %add3A_56 : i32
    %dma_start3A_58 = arith.constant 0 : i32
    %dma_start3A_59 = tpu.memref_slice %arg4[%add3A_57, %dma_start3A_58] : memref<204800x16xf32, #tpu.memory_space<hbm>> -> memref<1600x16xf32, #tpu.memory_space<hbm>>
    %dma_start3A_60 = arith.constant 0 : i32
    %dma_start3A_61 = tpu.memref_slice %arg4[%add3A_57, %dma_start3A_60] : memref<204800x16xf32, #tpu.memory_space<hbm>> -> memref<1600x16xf32, #tpu.memory_space<hbm>>
    tpu.enqueue_dma source(%arg6 : memref<1600x16xf32, #tpu.memory_space<vmem>>) target(%dma_start3A_61 : memref<1600x16xf32, #tpu.memory_space<hbm>>) target_semaphore(%arg10 : memref<!tpu.dma_semaphore, #tpu.memory_space<semaphore_mem>>)
    %dma_wait3A_62 = arith.constant 4800 : i32
    %dma_wait3A_63 = tpu.memref_slice %arg5[%dma_wait3A_62] : memref<6400xi32, #tpu.memory_space<vmem>> -> memref<1600xi32, #tpu.memory_space<vmem>>
    %dma_wait3A_64 = arith.constant 0 : i32
    %dma_wait3A_65 = arith.constant 0 : i32
    %dma_wait3A_66 = tpu.memref_slice %arg3[%dma_wait3A_64, %dma_wait3A_65] : memref<100000x16xf32, #tpu.memory_space<hbm>> -> memref<100000x16xf32, #tpu.memory_space<hbm>>
    tpu.wait_indirect_dma semaphore(%arg9 : memref<!tpu.dma_semaphore, #tpu.memory_space<semaphore_mem>>) src(%dma_wait3A_66 : memref<100000x16xf32, #tpu.memory_space<hbm>>) dst(%arg7 : memref<1600x16xf32, #tpu.memory_space<vmem>>)
    %add3A_67 = arith.constant 4800 : i32
    %add3A_68 = arith.addi %mul3A_2, %add3A_67 : i32
    %dma_start3A_69 = arith.constant 0 : i32
    %dma_start3A_70 = tpu.memref_slice %arg4[%add3A_68, %dma_start3A_69] : memref<204800x16xf32, #tpu.memory_space<hbm>> -> memref<1600x16xf32, #tpu.memory_space<hbm>>
    %dma_start3A_71 = arith.constant 0 : i32
    %dma_start3A_72 = tpu.memref_slice %arg4[%add3A_68, %dma_start3A_71] : memref<204800x16xf32, #tpu.memory_space<hbm>> -> memref<1600x16xf32, #tpu.memory_space<hbm>>
    tpu.enqueue_dma source(%arg7 : memref<1600x16xf32, #tpu.memory_space<vmem>>) target(%dma_start3A_72 : memref<1600x16xf32, #tpu.memory_space<hbm>>) target_semaphore(%arg11 : memref<!tpu.dma_semaphore, #tpu.memory_space<semaphore_mem>>)
    %dma_wait3A_73 = arith.constant 0 : i32
    %dma_wait3A_74 = tpu.memref_slice %arg4[%add3A_57, %dma_wait3A_73] : memref<204800x16xf32, #tpu.memory_space<hbm>> -> memref<1600x16xf32, #tpu.memory_space<hbm>>
    %dma_wait3A_75 = arith.constant 0 : i32
    %dma_wait3A_76 = tpu.memref_slice %arg4[%add3A_57, %dma_wait3A_75] : memref<204800x16xf32, #tpu.memory_space<hbm>> -> memref<1600x16xf32, #tpu.memory_space<hbm>>
    tpu.wait_dma2 semaphore(%arg10 : memref<!tpu.dma_semaphore, #tpu.memory_space<semaphore_mem>>) src(%arg6 : memref<1600x16xf32, #tpu.memory_space<vmem>>) dst(%dma_wait3A_76 : memref<1600x16xf32, #tpu.memory_space<hbm>>)
    %dma_wait3A_77 = arith.constant 0 : i32
    %dma_wait3A_78 = tpu.memref_slice %arg4[%add3A_68, %dma_wait3A_77] : memref<204800x16xf32, #tpu.memory_space<hbm>> -> memref<1600x16xf32, #tpu.memory_space<hbm>>
    %dma_wait3A_79 = arith.constant 0 : i32
    %dma_wait3A_80 = tpu.memref_slice %arg4[%add3A_68, %dma_wait3A_79] : memref<204800x16xf32, #tpu.memory_space<hbm>> -> memref<1600x16xf32, #tpu.memory_space<hbm>>
    tpu.wait_dma2 semaphore(%arg11 : memref<!tpu.dma_semaphore, #tpu.memory_space<semaphore_mem>>) src(%arg7 : memref<1600x16xf32, #tpu.memory_space<vmem>>) dst(%dma_wait3A_80 : memref<1600x16xf32, #tpu.memory_space<hbm>>)
    return
  }
}

module attributes {stable_mosaic.version = 14 : i64} {
  func.func @_fused_body(%arg0: i32, %arg1: memref<25600x128xf32, #tpu.memory_space<vmem>>, %arg2: memref<3200x64xf32, #tpu.memory_space<vmem>>, %arg3: memref<1x64xf32, #tpu.memory_space<vmem>>, %arg4: memref<8x64xf32, #tpu.memory_space<vmem>>, %arg5: memref<64x8xf32, #tpu.memory_space<vmem>>, %arg6: memref<64x32xf32, #tpu.memory_space<vmem>>, %arg7: memref<1x32xf32, #tpu.memory_space<vmem>>, %arg8: memref<64x32xf32, #tpu.memory_space<vmem>>, %arg9: memref<1x32xf32, #tpu.memory_space<vmem>>, %arg10: memref<8x32xf32, #tpu.memory_space<vmem>>, %arg11: memref<32x8xf32, #tpu.memory_space<vmem>>, %arg12: memref<32x32xf32, #tpu.memory_space<vmem>>, %arg13: memref<1x32xf32, #tpu.memory_space<vmem>>, %arg14: memref<32x32xf32, #tpu.memory_space<vmem>>, %arg15: memref<1x32xf32, #tpu.memory_space<vmem>>, %arg16: memref<33x2048xf32, #tpu.memory_space<vmem>>, %arg17: memref<2048x1024xf32, #tpu.memory_space<vmem>>, %arg18: memref<1024x8xf32, #tpu.memory_space<vmem>>, %arg19: memref<1024x33xf32, #tpu.memory_space<vmem>>) attributes {dimension_semantics = [#tpu.dimension_semantics<arbitrary>], iteration_bounds = array<i64: 49>, scalar_prefetch = 0 : i64, scratch_operands = 1 : i64, tpu.core_type = #tpu.core_type<tc>, window_params = [{pipeline_mode = #tpu.pipeline_mode<synchronous>, transform_indices = @transform_0, window_bounds = array<i64: 25600, 128>}, {pipeline_mode = #tpu.pipeline_mode<synchronous>, transform_indices = @transform_1, window_bounds = array<i64: 3200, 64>}, {pipeline_mode = #tpu.pipeline_mode<synchronous>, transform_indices = @transform_2, window_bounds = array<i64: 1, 64>}, {pipeline_mode = #tpu.pipeline_mode<synchronous>, transform_indices = @transform_3, window_bounds = array<i64: 8, 64>}, {pipeline_mode = #tpu.pipeline_mode<synchronous>, transform_indices = @transform_4, window_bounds = array<i64: 64, 8>}, {pipeline_mode = #tpu.pipeline_mode<synchronous>, transform_indices = @transform_5, window_bounds = array<i64: 64, 32>}, {pipeline_mode = #tpu.pipeline_mode<synchronous>, transform_indices = @transform_6, window_bounds = array<i64: 1, 32>}, {pipeline_mode = #tpu.pipeline_mode<synchronous>, transform_indices = @transform_7, window_bounds = array<i64: 64, 32>}, {pipeline_mode = #tpu.pipeline_mode<synchronous>, transform_indices = @transform_8, window_bounds = array<i64: 1, 32>}, {pipeline_mode = #tpu.pipeline_mode<synchronous>, transform_indices = @transform_9, window_bounds = array<i64: 8, 32>}, {pipeline_mode = #tpu.pipeline_mode<synchronous>, transform_indices = @transform_10, window_bounds = array<i64: 32, 8>}, {pipeline_mode = #tpu.pipeline_mode<synchronous>, transform_indices = @transform_11, window_bounds = array<i64: 32, 32>}, {pipeline_mode = #tpu.pipeline_mode<synchronous>, transform_indices = @transform_12, window_bounds = array<i64: 1, 32>}, {pipeline_mode = #tpu.pipeline_mode<synchronous>, transform_indices = @transform_13, window_bounds = array<i64: 32, 32>}, {pipeline_mode = #tpu.pipeline_mode<synchronous>, transform_indices = @transform_14, window_bounds = array<i64: 1, 32>}, {transform_indices = @transform_15, window_bounds = array<i64: 33, 2048>}, {transform_indices = @transform_16, window_bounds = array<i64: 2048, 1024>}, {pipeline_mode = #tpu.pipeline_mode<synchronous>, transform_indices = @transform_17, window_bounds = array<i64: 1024, 8>}]} {
    %eq3A = arith.constant 0 : i32
    %eq3A_0 = arith.cmpi eq, %arg0, %eq3A : i32
    %convert_element_type3A = arith.extui %eq3A_0 : i1 to i32
    %cond3A = arith.constant 0 : i32
    %cond3A_1 = arith.cmpi ne, %convert_element_type3A, %cond3A : i32
    scf.if %cond3A_1 {
      %broadcast_in_dim3A = arith.constant 0.000000e+00 : f32
      %broadcast_in_dim3A_10 = vector.broadcast %broadcast_in_dim3A : f32 to vector<1024x64xf32>
      %get3A_11 = arith.constant 0 : index
      %get3A_12 = arith.constant 0 : index
      %get3A_13 = vector.load %arg3[%get3A_11, %get3A_12] : memref<1x64xf32, #tpu.memory_space<vmem>>, vector<1x64xf32>
      %add3A = vector.broadcast %get3A_13 : vector<1x64xf32> to vector<1024x64xf32>
      %add3A_14 = arith.addf %broadcast_in_dim3A_10, %add3A : vector<1024x64xf32>
      %get3A_15 = arith.constant 0 : index
      %get3A_16 = arith.constant 0 : index
      %get3A_17 = tpu.strided_load %arg1[%get3A_15, %get3A_16] {strides = array<i32: 25, 1>} : memref<25600x128xf32, #tpu.memory_space<vmem>>, vector<1024x128xf32>
      %get3A_18 = arith.constant 0 : index
      %get3A_19 = arith.constant 0 : index
      %get3A_20 = vector.load %arg2[%get3A_18, %get3A_19] : memref<3200x64xf32, #tpu.memory_space<vmem>>, vector<128x64xf32>
      %dot_general3A_21 = arith.constant dense<0.000000e+00> : vector<1024x64xf32>
      %dot_general3A_22 = tpu.matmul %get3A_17, %get3A_20, %dot_general3A_21 {dimension_numbers = #tpu.dot_dimension_numbers<[1], [0], [0], [1], [0, 0, 1, 1], [], []>, transpose_lhs_hint = false} : vector<1024x128xf32>, vector<128x64xf32>, vector<1024x64xf32> -> vector<1024x64xf32>
      %add3A_23 = arith.addf %add3A_14, %dot_general3A_22 : vector<1024x64xf32>
      %get3A_24 = arith.constant 1 : index
      %get3A_25 = arith.constant 0 : index
      %get3A_26 = tpu.strided_load %arg1[%get3A_24, %get3A_25] {strides = array<i32: 25, 1>} : memref<25600x128xf32, #tpu.memory_space<vmem>>, vector<1024x128xf32>
      %get3A_27 = arith.constant 128 : index
      %get3A_28 = arith.constant 0 : index
      %get3A_29 = vector.load %arg2[%get3A_27, %get3A_28] : memref<3200x64xf32, #tpu.memory_space<vmem>>, vector<128x64xf32>
      %dot_general3A_30 = arith.constant dense<0.000000e+00> : vector<1024x64xf32>
      %dot_general3A_31 = tpu.matmul %get3A_26, %get3A_29, %dot_general3A_30 {dimension_numbers = #tpu.dot_dimension_numbers<[1], [0], [0], [1], [0, 0, 1, 1], [], []>, transpose_lhs_hint = false} : vector<1024x128xf32>, vector<128x64xf32>, vector<1024x64xf32> -> vector<1024x64xf32>
      %add3A_32 = arith.addf %add3A_23, %dot_general3A_31 : vector<1024x64xf32>
      %get3A_33 = arith.constant 2 : index
      %get3A_34 = arith.constant 0 : index
      %get3A_35 = tpu.strided_load %arg1[%get3A_33, %get3A_34] {strides = array<i32: 25, 1>} : memref<25600x128xf32, #tpu.memory_space<vmem>>, vector<1024x128xf32>
      %get3A_36 = arith.constant 256 : index
      %get3A_37 = arith.constant 0 : index
      %get3A_38 = vector.load %arg2[%get3A_36, %get3A_37] : memref<3200x64xf32, #tpu.memory_space<vmem>>, vector<128x64xf32>
      %dot_general3A_39 = arith.constant dense<0.000000e+00> : vector<1024x64xf32>
      %dot_general3A_40 = tpu.matmul %get3A_35, %get3A_38, %dot_general3A_39 {dimension_numbers = #tpu.dot_dimension_numbers<[1], [0], [0], [1], [0, 0, 1, 1], [], []>, transpose_lhs_hint = false} : vector<1024x128xf32>, vector<128x64xf32>, vector<1024x64xf32> -> vector<1024x64xf32>
      %add3A_41 = arith.addf %add3A_32, %dot_general3A_40 : vector<1024x64xf32>
      %get3A_42 = arith.constant 3 : index
      %get3A_43 = arith.constant 0 : index
      %get3A_44 = tpu.strided_load %arg1[%get3A_42, %get3A_43] {strides = array<i32: 25, 1>} : memref<25600x128xf32, #tpu.memory_space<vmem>>, vector<1024x128xf32>
      %get3A_45 = arith.constant 384 : index
      %get3A_46 = arith.constant 0 : index
      %get3A_47 = vector.load %arg2[%get3A_45, %get3A_46] : memref<3200x64xf32, #tpu.memory_space<vmem>>, vector<128x64xf32>
      %dot_general3A_48 = arith.constant dense<0.000000e+00> : vector<1024x64xf32>
      %dot_general3A_49 = tpu.matmul %get3A_44, %get3A_47, %dot_general3A_48 {dimension_numbers = #tpu.dot_dimension_numbers<[1], [0], [0], [1], [0, 0, 1, 1], [], []>, transpose_lhs_hint = false} : vector<1024x128xf32>, vector<128x64xf32>, vector<1024x64xf32> -> vector<1024x64xf32>
      %add3A_50 = arith.addf %add3A_41, %dot_general3A_49 : vector<1024x64xf32>
      %get3A_51 = arith.constant 4 : index
      %get3A_52 = arith.constant 0 : index
      %get3A_53 = tpu.strided_load %arg1[%get3A_51, %get3A_52] {strides = array<i32: 25, 1>} : memref<25600x128xf32, #tpu.memory_space<vmem>>, vector<1024x128xf32>
      %get3A_54 = arith.constant 512 : index
      %get3A_55 = arith.constant 0 : index
      %get3A_56 = vector.load %arg2[%get3A_54, %get3A_55] : memref<3200x64xf32, #tpu.memory_space<vmem>>, vector<128x64xf32>
      %dot_general3A_57 = arith.constant dense<0.000000e+00> : vector<1024x64xf32>
      %dot_general3A_58 = tpu.matmul %get3A_53, %get3A_56, %dot_general3A_57 {dimension_numbers = #tpu.dot_dimension_numbers<[1], [0], [0], [1], [0, 0, 1, 1], [], []>, transpose_lhs_hint = false} : vector<1024x128xf32>, vector<128x64xf32>, vector<1024x64xf32> -> vector<1024x64xf32>
      %add3A_59 = arith.addf %add3A_50, %dot_general3A_58 : vector<1024x64xf32>
      %get3A_60 = arith.constant 5 : index
      %get3A_61 = arith.constant 0 : index
      %get3A_62 = tpu.strided_load %arg1[%get3A_60, %get3A_61] {strides = array<i32: 25, 1>} : memref<25600x128xf32, #tpu.memory_space<vmem>>, vector<1024x128xf32>
      %get3A_63 = arith.constant 640 : index
      %get3A_64 = arith.constant 0 : index
      %get3A_65 = vector.load %arg2[%get3A_63, %get3A_64] : memref<3200x64xf32, #tpu.memory_space<vmem>>, vector<128x64xf32>
      %dot_general3A_66 = arith.constant dense<0.000000e+00> : vector<1024x64xf32>
      %dot_general3A_67 = tpu.matmul %get3A_62, %get3A_65, %dot_general3A_66 {dimension_numbers = #tpu.dot_dimension_numbers<[1], [0], [0], [1], [0, 0, 1, 1], [], []>, transpose_lhs_hint = false} : vector<1024x128xf32>, vector<128x64xf32>, vector<1024x64xf32> -> vector<1024x64xf32>
      %add3A_68 = arith.addf %add3A_59, %dot_general3A_67 : vector<1024x64xf32>
      %get3A_69 = arith.constant 6 : index
      %get3A_70 = arith.constant 0 : index
      %get3A_71 = tpu.strided_load %arg1[%get3A_69, %get3A_70] {strides = array<i32: 25, 1>} : memref<25600x128xf32, #tpu.memory_space<vmem>>, vector<1024x128xf32>
      %get3A_72 = arith.constant 768 : index
      %get3A_73 = arith.constant 0 : index
      %get3A_74 = vector.load %arg2[%get3A_72, %get3A_73] : memref<3200x64xf32, #tpu.memory_space<vmem>>, vector<128x64xf32>
      %dot_general3A_75 = arith.constant dense<0.000000e+00> : vector<1024x64xf32>
      %dot_general3A_76 = tpu.matmul %get3A_71, %get3A_74, %dot_general3A_75 {dimension_numbers = #tpu.dot_dimension_numbers<[1], [0], [0], [1], [0, 0, 1, 1], [], []>, transpose_lhs_hint = false} : vector<1024x128xf32>, vector<128x64xf32>, vector<1024x64xf32> -> vector<1024x64xf32>
      %add3A_77 = arith.addf %add3A_68, %dot_general3A_76 : vector<1024x64xf32>
      %get3A_78 = arith.constant 7 : index
      %get3A_79 = arith.constant 0 : index
      %get3A_80 = tpu.strided_load %arg1[%get3A_78, %get3A_79] {strides = array<i32: 25, 1>} : memref<25600x128xf32, #tpu.memory_space<vmem>>, vector<1024x128xf32>
      %get3A_81 = arith.constant 896 : index
      %get3A_82 = arith.constant 0 : index
      %get3A_83 = vector.load %arg2[%get3A_81, %get3A_82] : memref<3200x64xf32, #tpu.memory_space<vmem>>, vector<128x64xf32>
      %dot_general3A_84 = arith.constant dense<0.000000e+00> : vector<1024x64xf32>
      %dot_general3A_85 = tpu.matmul %get3A_80, %get3A_83, %dot_general3A_84 {dimension_numbers = #tpu.dot_dimension_numbers<[1], [0], [0], [1], [0, 0, 1, 1], [], []>, transpose_lhs_hint = false} : vector<1024x128xf32>, vector<128x64xf32>, vector<1024x64xf32> -> vector<1024x64xf32>
      %add3A_86 = arith.addf %add3A_77, %dot_general3A_85 : vector<1024x64xf32>
      %get3A_87 = arith.constant 8 : index
      %get3A_88 = arith.constant 0 : index
      %get3A_89 = tpu.strided_load %arg1[%get3A_87, %get3A_88] {strides = array<i32: 25, 1>} : memref<25600x128xf32, #tpu.memory_space<vmem>>, vector<1024x128xf32>
      %get3A_90 = arith.constant 1024 : index
      %get3A_91 = arith.constant 0 : index
      %get3A_92 = vector.load %arg2[%get3A_90, %get3A_91] : memref<3200x64xf32, #tpu.memory_space<vmem>>, vector<128x64xf32>
      %dot_general3A_93 = arith.constant dense<0.000000e+00> : vector<1024x64xf32>
      %dot_general3A_94 = tpu.matmul %get3A_89, %get3A_92, %dot_general3A_93 {dimension_numbers = #tpu.dot_dimension_numbers<[1], [0], [0], [1], [0, 0, 1, 1], [], []>, transpose_lhs_hint = false} : vector<1024x128xf32>, vector<128x64xf32>, vector<1024x64xf32> -> vector<1024x64xf32>
      %add3A_95 = arith.addf %add3A_86, %dot_general3A_94 : vector<1024x64xf32>
      %get3A_96 = arith.constant 9 : index
      %get3A_97 = arith.constant 0 : index
      %get3A_98 = tpu.strided_load %arg1[%get3A_96, %get3A_97] {strides = array<i32: 25, 1>} : memref<25600x128xf32, #tpu.memory_space<vmem>>, vector<1024x128xf32>
      %get3A_99 = arith.constant 1152 : index
      %get3A_100 = arith.constant 0 : index
      %get3A_101 = vector.load %arg2[%get3A_99, %get3A_100] : memref<3200x64xf32, #tpu.memory_space<vmem>>, vector<128x64xf32>
      %dot_general3A_102 = arith.constant dense<0.000000e+00> : vector<1024x64xf32>
      %dot_general3A_103 = tpu.matmul %get3A_98, %get3A_101, %dot_general3A_102 {dimension_numbers = #tpu.dot_dimension_numbers<[1], [0], [0], [1], [0, 0, 1, 1], [], []>, transpose_lhs_hint = false} : vector<1024x128xf32>, vector<128x64xf32>, vector<1024x64xf32> -> vector<1024x64xf32>
      %add3A_104 = arith.addf %add3A_95, %dot_general3A_103 : vector<1024x64xf32>
      %get3A_105 = arith.constant 10 : index
      %get3A_106 = arith.constant 0 : index
      %get3A_107 = tpu.strided_load %arg1[%get3A_105, %get3A_106] {strides = array<i32: 25, 1>} : memref<25600x128xf32, #tpu.memory_space<vmem>>, vector<1024x128xf32>
      %get3A_108 = arith.constant 1280 : index
      %get3A_109 = arith.constant 0 : index
      %get3A_110 = vector.load %arg2[%get3A_108, %get3A_109] : memref<3200x64xf32, #tpu.memory_space<vmem>>, vector<128x64xf32>
      %dot_general3A_111 = arith.constant dense<0.000000e+00> : vector<1024x64xf32>
      %dot_general3A_112 = tpu.matmul %get3A_107, %get3A_110, %dot_general3A_111 {dimension_numbers = #tpu.dot_dimension_numbers<[1], [0], [0], [1], [0, 0, 1, 1], [], []>, transpose_lhs_hint = false} : vector<1024x128xf32>, vector<128x64xf32>, vector<1024x64xf32> -> vector<1024x64xf32>
      %add3A_113 = arith.addf %add3A_104, %dot_general3A_112 : vector<1024x64xf32>
      %get3A_114 = arith.constant 11 : index
      %get3A_115 = arith.constant 0 : index
      %get3A_116 = tpu.strided_load %arg1[%get3A_114, %get3A_115] {strides = array<i32: 25, 1>} : memref<25600x128xf32, #tpu.memory_space<vmem>>, vector<1024x128xf32>
      %get3A_117 = arith.constant 1408 : index
      %get3A_118 = arith.constant 0 : index
      %get3A_119 = vector.load %arg2[%get3A_117, %get3A_118] : memref<3200x64xf32, #tpu.memory_space<vmem>>, vector<128x64xf32>
      %dot_general3A_120 = arith.constant dense<0.000000e+00> : vector<1024x64xf32>
      %dot_general3A_121 = tpu.matmul %get3A_116, %get3A_119, %dot_general3A_120 {dimension_numbers = #tpu.dot_dimension_numbers<[1], [0], [0], [1], [0, 0, 1, 1], [], []>, transpose_lhs_hint = false} : vector<1024x128xf32>, vector<128x64xf32>, vector<1024x64xf32> -> vector<1024x64xf32>
      %add3A_122 = arith.addf %add3A_113, %dot_general3A_121 : vector<1024x64xf32>
      %get3A_123 = arith.constant 12 : index
      %get3A_124 = arith.constant 0 : index
      %get3A_125 = tpu.strided_load %arg1[%get3A_123, %get3A_124] {strides = array<i32: 25, 1>} : memref<25600x128xf32, #tpu.memory_space<vmem>>, vector<1024x128xf32>
      %get3A_126 = arith.constant 1536 : index
      %get3A_127 = arith.constant 0 : index
      %get3A_128 = vector.load %arg2[%get3A_126, %get3A_127] : memref<3200x64xf32, #tpu.memory_space<vmem>>, vector<128x64xf32>
      %dot_general3A_129 = arith.constant dense<0.000000e+00> : vector<1024x64xf32>
      %dot_general3A_130 = tpu.matmul %get3A_125, %get3A_128, %dot_general3A_129 {dimension_numbers = #tpu.dot_dimension_numbers<[1], [0], [0], [1], [0, 0, 1, 1], [], []>, transpose_lhs_hint = false} : vector<1024x128xf32>, vector<128x64xf32>, vector<1024x64xf32> -> vector<1024x64xf32>
      %add3A_131 = arith.addf %add3A_122, %dot_general3A_130 : vector<1024x64xf32>
      %get3A_132 = arith.constant 13 : index
      %get3A_133 = arith.constant 0 : index
      %get3A_134 = tpu.strided_load %arg1[%get3A_132, %get3A_133] {strides = array<i32: 25, 1>} : memref<25600x128xf32, #tpu.memory_space<vmem>>, vector<1024x128xf32>
      %get3A_135 = arith.constant 1664 : index
      %get3A_136 = arith.constant 0 : index
      %get3A_137 = vector.load %arg2[%get3A_135, %get3A_136] : memref<3200x64xf32, #tpu.memory_space<vmem>>, vector<128x64xf32>
      %dot_general3A_138 = arith.constant dense<0.000000e+00> : vector<1024x64xf32>
      %dot_general3A_139 = tpu.matmul %get3A_134, %get3A_137, %dot_general3A_138 {dimension_numbers = #tpu.dot_dimension_numbers<[1], [0], [0], [1], [0, 0, 1, 1], [], []>, transpose_lhs_hint = false} : vector<1024x128xf32>, vector<128x64xf32>, vector<1024x64xf32> -> vector<1024x64xf32>
      %add3A_140 = arith.addf %add3A_131, %dot_general3A_139 : vector<1024x64xf32>
      %get3A_141 = arith.constant 14 : index
      %get3A_142 = arith.constant 0 : index
      %get3A_143 = tpu.strided_load %arg1[%get3A_141, %get3A_142] {strides = array<i32: 25, 1>} : memref<25600x128xf32, #tpu.memory_space<vmem>>, vector<1024x128xf32>
      %get3A_144 = arith.constant 1792 : index
      %get3A_145 = arith.constant 0 : index
      %get3A_146 = vector.load %arg2[%get3A_144, %get3A_145] : memref<3200x64xf32, #tpu.memory_space<vmem>>, vector<128x64xf32>
      %dot_general3A_147 = arith.constant dense<0.000000e+00> : vector<1024x64xf32>
      %dot_general3A_148 = tpu.matmul %get3A_143, %get3A_146, %dot_general3A_147 {dimension_numbers = #tpu.dot_dimension_numbers<[1], [0], [0], [1], [0, 0, 1, 1], [], []>, transpose_lhs_hint = false} : vector<1024x128xf32>, vector<128x64xf32>, vector<1024x64xf32> -> vector<1024x64xf32>
      %add3A_149 = arith.addf %add3A_140, %dot_general3A_148 : vector<1024x64xf32>
      %get3A_150 = arith.constant 15 : index
      %get3A_151 = arith.constant 0 : index
      %get3A_152 = tpu.strided_load %arg1[%get3A_150, %get3A_151] {strides = array<i32: 25, 1>} : memref<25600x128xf32, #tpu.memory_space<vmem>>, vector<1024x128xf32>
      %get3A_153 = arith.constant 1920 : index
      %get3A_154 = arith.constant 0 : index
      %get3A_155 = vector.load %arg2[%get3A_153, %get3A_154] : memref<3200x64xf32, #tpu.memory_space<vmem>>, vector<128x64xf32>
      %dot_general3A_156 = arith.constant dense<0.000000e+00> : vector<1024x64xf32>
      %dot_general3A_157 = tpu.matmul %get3A_152, %get3A_155, %dot_general3A_156 {dimension_numbers = #tpu.dot_dimension_numbers<[1], [0], [0], [1], [0, 0, 1, 1], [], []>, transpose_lhs_hint = false} : vector<1024x128xf32>, vector<128x64xf32>, vector<1024x64xf32> -> vector<1024x64xf32>
      %add3A_158 = arith.addf %add3A_149, %dot_general3A_157 : vector<1024x64xf32>
      %get3A_159 = arith.constant 16 : index
      %get3A_160 = arith.constant 0 : index
      %get3A_161 = tpu.strided_load %arg1[%get3A_159, %get3A_160] {strides = array<i32: 25, 1>} : memref<25600x128xf32, #tpu.memory_space<vmem>>, vector<1024x128xf32>
      %get3A_162 = arith.constant 2048 : index
      %get3A_163 = arith.constant 0 : index
      %get3A_164 = vector.load %arg2[%get3A_162, %get3A_163] : memref<3200x64xf32, #tpu.memory_space<vmem>>, vector<128x64xf32>
      %dot_general3A_165 = arith.constant dense<0.000000e+00> : vector<1024x64xf32>
      %dot_general3A_166 = tpu.matmul %get3A_161, %get3A_164, %dot_general3A_165 {dimension_numbers = #tpu.dot_dimension_numbers<[1], [0], [0], [1], [0, 0, 1, 1], [], []>, transpose_lhs_hint = false} : vector<1024x128xf32>, vector<128x64xf32>, vector<1024x64xf32> -> vector<1024x64xf32>
      %add3A_167 = arith.addf %add3A_158, %dot_general3A_166 : vector<1024x64xf32>
      %get3A_168 = arith.constant 17 : index
      %get3A_169 = arith.constant 0 : index
      %get3A_170 = tpu.strided_load %arg1[%get3A_168, %get3A_169] {strides = array<i32: 25, 1>} : memref<25600x128xf32, #tpu.memory_space<vmem>>, vector<1024x128xf32>
      %get3A_171 = arith.constant 2176 : index
      %get3A_172 = arith.constant 0 : index
      %get3A_173 = vector.load %arg2[%get3A_171, %get3A_172] : memref<3200x64xf32, #tpu.memory_space<vmem>>, vector<128x64xf32>
      %dot_general3A_174 = arith.constant dense<0.000000e+00> : vector<1024x64xf32>
      %dot_general3A_175 = tpu.matmul %get3A_170, %get3A_173, %dot_general3A_174 {dimension_numbers = #tpu.dot_dimension_numbers<[1], [0], [0], [1], [0, 0, 1, 1], [], []>, transpose_lhs_hint = false} : vector<1024x128xf32>, vector<128x64xf32>, vector<1024x64xf32> -> vector<1024x64xf32>
      %add3A_176 = arith.addf %add3A_167, %dot_general3A_175 : vector<1024x64xf32>
      %get3A_177 = arith.constant 18 : index
      %get3A_178 = arith.constant 0 : index
      %get3A_179 = tpu.strided_load %arg1[%get3A_177, %get3A_178] {strides = array<i32: 25, 1>} : memref<25600x128xf32, #tpu.memory_space<vmem>>, vector<1024x128xf32>
      %get3A_180 = arith.constant 2304 : index
      %get3A_181 = arith.constant 0 : index
      %get3A_182 = vector.load %arg2[%get3A_180, %get3A_181] : memref<3200x64xf32, #tpu.memory_space<vmem>>, vector<128x64xf32>
      %dot_general3A_183 = arith.constant dense<0.000000e+00> : vector<1024x64xf32>
      %dot_general3A_184 = tpu.matmul %get3A_179, %get3A_182, %dot_general3A_183 {dimension_numbers = #tpu.dot_dimension_numbers<[1], [0], [0], [1], [0, 0, 1, 1], [], []>, transpose_lhs_hint = false} : vector<1024x128xf32>, vector<128x64xf32>, vector<1024x64xf32> -> vector<1024x64xf32>
      %add3A_185 = arith.addf %add3A_176, %dot_general3A_184 : vector<1024x64xf32>
      %get3A_186 = arith.constant 19 : index
      %get3A_187 = arith.constant 0 : index
      %get3A_188 = tpu.strided_load %arg1[%get3A_186, %get3A_187] {strides = array<i32: 25, 1>} : memref<25600x128xf32, #tpu.memory_space<vmem>>, vector<1024x128xf32>
      %get3A_189 = arith.constant 2432 : index
      %get3A_190 = arith.constant 0 : index
      %get3A_191 = vector.load %arg2[%get3A_189, %get3A_190] : memref<3200x64xf32, #tpu.memory_space<vmem>>, vector<128x64xf32>
      %dot_general3A_192 = arith.constant dense<0.000000e+00> : vector<1024x64xf32>
      %dot_general3A_193 = tpu.matmul %get3A_188, %get3A_191, %dot_general3A_192 {dimension_numbers = #tpu.dot_dimension_numbers<[1], [0], [0], [1], [0, 0, 1, 1], [], []>, transpose_lhs_hint = false} : vector<1024x128xf32>, vector<128x64xf32>, vector<1024x64xf32> -> vector<1024x64xf32>
      %add3A_194 = arith.addf %add3A_185, %dot_general3A_193 : vector<1024x64xf32>
      %get3A_195 = arith.constant 20 : index
      %get3A_196 = arith.constant 0 : index
      %get3A_197 = tpu.strided_load %arg1[%get3A_195, %get3A_196] {strides = array<i32: 25, 1>} : memref<25600x128xf32, #tpu.memory_space<vmem>>, vector<1024x128xf32>
      %get3A_198 = arith.constant 2560 : index
      %get3A_199 = arith.constant 0 : index
      %get3A_200 = vector.load %arg2[%get3A_198, %get3A_199] : memref<3200x64xf32, #tpu.memory_space<vmem>>, vector<128x64xf32>
      %dot_general3A_201 = arith.constant dense<0.000000e+00> : vector<1024x64xf32>
      %dot_general3A_202 = tpu.matmul %get3A_197, %get3A_200, %dot_general3A_201 {dimension_numbers = #tpu.dot_dimension_numbers<[1], [0], [0], [1], [0, 0, 1, 1], [], []>, transpose_lhs_hint = false} : vector<1024x128xf32>, vector<128x64xf32>, vector<1024x64xf32> -> vector<1024x64xf32>
      %add3A_203 = arith.addf %add3A_194, %dot_general3A_202 : vector<1024x64xf32>
      %get3A_204 = arith.constant 21 : index
      %get3A_205 = arith.constant 0 : index
      %get3A_206 = tpu.strided_load %arg1[%get3A_204, %get3A_205] {strides = array<i32: 25, 1>} : memref<25600x128xf32, #tpu.memory_space<vmem>>, vector<1024x128xf32>
      %get3A_207 = arith.constant 2688 : index
      %get3A_208 = arith.constant 0 : index
      %get3A_209 = vector.load %arg2[%get3A_207, %get3A_208] : memref<3200x64xf32, #tpu.memory_space<vmem>>, vector<128x64xf32>
      %dot_general3A_210 = arith.constant dense<0.000000e+00> : vector<1024x64xf32>
      %dot_general3A_211 = tpu.matmul %get3A_206, %get3A_209, %dot_general3A_210 {dimension_numbers = #tpu.dot_dimension_numbers<[1], [0], [0], [1], [0, 0, 1, 1], [], []>, transpose_lhs_hint = false} : vector<1024x128xf32>, vector<128x64xf32>, vector<1024x64xf32> -> vector<1024x64xf32>
      %add3A_212 = arith.addf %add3A_203, %dot_general3A_211 : vector<1024x64xf32>
      %get3A_213 = arith.constant 22 : index
      %get3A_214 = arith.constant 0 : index
      %get3A_215 = tpu.strided_load %arg1[%get3A_213, %get3A_214] {strides = array<i32: 25, 1>} : memref<25600x128xf32, #tpu.memory_space<vmem>>, vector<1024x128xf32>
      %get3A_216 = arith.constant 2816 : index
      %get3A_217 = arith.constant 0 : index
      %get3A_218 = vector.load %arg2[%get3A_216, %get3A_217] : memref<3200x64xf32, #tpu.memory_space<vmem>>, vector<128x64xf32>
      %dot_general3A_219 = arith.constant dense<0.000000e+00> : vector<1024x64xf32>
      %dot_general3A_220 = tpu.matmul %get3A_215, %get3A_218, %dot_general3A_219 {dimension_numbers = #tpu.dot_dimension_numbers<[1], [0], [0], [1], [0, 0, 1, 1], [], []>, transpose_lhs_hint = false} : vector<1024x128xf32>, vector<128x64xf32>, vector<1024x64xf32> -> vector<1024x64xf32>
      %add3A_221 = arith.addf %add3A_212, %dot_general3A_220 : vector<1024x64xf32>
      %get3A_222 = arith.constant 23 : index
      %get3A_223 = arith.constant 0 : index
      %get3A_224 = tpu.strided_load %arg1[%get3A_222, %get3A_223] {strides = array<i32: 25, 1>} : memref<25600x128xf32, #tpu.memory_space<vmem>>, vector<1024x128xf32>
      %get3A_225 = arith.constant 2944 : index
      %get3A_226 = arith.constant 0 : index
      %get3A_227 = vector.load %arg2[%get3A_225, %get3A_226] : memref<3200x64xf32, #tpu.memory_space<vmem>>, vector<128x64xf32>
      %dot_general3A_228 = arith.constant dense<0.000000e+00> : vector<1024x64xf32>
      %dot_general3A_229 = tpu.matmul %get3A_224, %get3A_227, %dot_general3A_228 {dimension_numbers = #tpu.dot_dimension_numbers<[1], [0], [0], [1], [0, 0, 1, 1], [], []>, transpose_lhs_hint = false} : vector<1024x128xf32>, vector<128x64xf32>, vector<1024x64xf32> -> vector<1024x64xf32>
      %add3A_230 = arith.addf %add3A_221, %dot_general3A_229 : vector<1024x64xf32>
      %get3A_231 = arith.constant 24 : index
      %get3A_232 = arith.constant 0 : index
      %get3A_233 = tpu.strided_load %arg1[%get3A_231, %get3A_232] {strides = array<i32: 25, 1>} : memref<25600x128xf32, #tpu.memory_space<vmem>>, vector<1024x128xf32>
      %get3A_234 = arith.constant 3072 : index
      %get3A_235 = arith.constant 0 : index
      %get3A_236 = vector.load %arg2[%get3A_234, %get3A_235] : memref<3200x64xf32, #tpu.memory_space<vmem>>, vector<128x64xf32>
      %dot_general3A_237 = arith.constant dense<0.000000e+00> : vector<1024x64xf32>
      %dot_general3A_238 = tpu.matmul %get3A_233, %get3A_236, %dot_general3A_237 {dimension_numbers = #tpu.dot_dimension_numbers<[1], [0], [0], [1], [0, 0, 1, 1], [], []>, transpose_lhs_hint = false} : vector<1024x128xf32>, vector<128x64xf32>, vector<1024x64xf32> -> vector<1024x64xf32>
      %add3A_239 = arith.addf %add3A_230, %dot_general3A_238 : vector<1024x64xf32>
      %max3A = arith.constant 0.000000e+00 : f32
      %max3A_240 = vector.broadcast %max3A : f32 to vector<1024x64xf32>
      %max3A_241 = arith.maximumf %add3A_239, %max3A_240 : vector<1024x64xf32>
      %get3A_242 = arith.constant 0 : index
      %get3A_243 = arith.constant 0 : index
      %get3A_244 = vector.load %arg5[%get3A_242, %get3A_243] : memref<64x8xf32, #tpu.memory_space<vmem>>, vector<64x8xf32>
      %dot_general3A_245 = arith.constant dense<0.000000e+00> : vector<1024x8xf32>
      %dot_general3A_246 = tpu.matmul %max3A_241, %get3A_244, %dot_general3A_245 {dimension_numbers = #tpu.dot_dimension_numbers<[1], [0], [0], [1], [0, 0, 1, 1], [], []>, transpose_lhs_hint = false} : vector<1024x64xf32>, vector<64x8xf32>, vector<1024x8xf32> -> vector<1024x8xf32>
      %mul3A = arith.constant 1.250000e-01 : f32
      %mul3A_247 = vector.broadcast %mul3A : f32 to vector<1024x8xf32>
      %mul3A_248 = arith.mulf %dot_general3A_246, %mul3A_247 : vector<1024x8xf32>
      %reduce_max3A = arith.constant dense<0xFF800000> : vector<1024xf32>
      %reduce_max3A_249 = vector.multi_reduction <maximumf>, %mul3A_248, %reduce_max3A [1] : vector<1024x8xf32> to vector<1024xf32>
      %broadcast_in_dim3A_250 = vector.shape_cast %reduce_max3A_249 : vector<1024xf32> to vector<1024x1xf32>
      %sub3A = vector.broadcast %broadcast_in_dim3A_250 : vector<1024x1xf32> to vector<1024x8xf32>
      %sub3A_251 = arith.subf %mul3A_248, %sub3A : vector<1024x8xf32>
      %exp3A = math.exp %sub3A_251 : vector<1024x8xf32>
      %reduce_sum3A = arith.constant dense<0.000000e+00> : vector<1024xf32>
      %reduce_sum3A_252 = vector.multi_reduction <add>, %exp3A, %reduce_sum3A [1] : vector<1024x8xf32> to vector<1024xf32>
      %broadcast_in_dim3A_253 = vector.shape_cast %reduce_sum3A_252 : vector<1024xf32> to vector<1024x1xf32>
      %div3A = vector.broadcast %broadcast_in_dim3A_253 : vector<1024x1xf32> to vector<1024x8xf32>
      %div3A_254 = arith.divf %exp3A, %div3A : vector<1024x8xf32>
      %get3A_255 = arith.constant 0 : index
      %get3A_256 = arith.constant 0 : index
      %get3A_257 = vector.load %arg4[%get3A_255, %get3A_256] : memref<8x64xf32, #tpu.memory_space<vmem>>, vector<8x64xf32>
      %dot_general3A_258 = arith.constant dense<0.000000e+00> : vector<1024x64xf32>
      %dot_general3A_259 = tpu.matmul %div3A_254, %get3A_257, %dot_general3A_258 {dimension_numbers = #tpu.dot_dimension_numbers<[1], [0], [0], [1], [0, 0, 1, 1], [], []>, transpose_lhs_hint = false} : vector<1024x8xf32>, vector<8x64xf32>, vector<1024x64xf32> -> vector<1024x64xf32>
      %get3A_260 = arith.constant 0 : index
      %get3A_261 = arith.constant 0 : index
      %get3A_262 = vector.load %arg6[%get3A_260, %get3A_261] : memref<64x32xf32, #tpu.memory_space<vmem>>, vector<64x32xf32>
      %dot_general3A_263 = arith.constant dense<0.000000e+00> : vector<1024x32xf32>
      %dot_general3A_264 = tpu.matmul %max3A_241, %get3A_262, %dot_general3A_263 {dimension_numbers = #tpu.dot_dimension_numbers<[1], [0], [0], [1], [0, 0, 1, 1], [], []>, transpose_lhs_hint = false} : vector<1024x64xf32>, vector<64x32xf32>, vector<1024x32xf32> -> vector<1024x32xf32>
      %get3A_265 = arith.constant 0 : index
      %get3A_266 = arith.constant 0 : index
      %get3A_267 = vector.load %arg7[%get3A_265, %get3A_266] : memref<1x32xf32, #tpu.memory_space<vmem>>, vector<1x32xf32>
      %add3A_268 = vector.broadcast %get3A_267 : vector<1x32xf32> to vector<1024x32xf32>
      %add3A_269 = arith.addf %dot_general3A_264, %add3A_268 : vector<1024x32xf32>
      %get3A_270 = arith.constant 0 : index
      %get3A_271 = arith.constant 0 : index
      %get3A_272 = vector.load %arg8[%get3A_270, %get3A_271] : memref<64x32xf32, #tpu.memory_space<vmem>>, vector<64x32xf32>
      %dot_general3A_273 = arith.constant dense<0.000000e+00> : vector<1024x32xf32>
      %dot_general3A_274 = tpu.matmul %dot_general3A_259, %get3A_272, %dot_general3A_273 {dimension_numbers = #tpu.dot_dimension_numbers<[1], [0], [0], [1], [0, 0, 1, 1], [], []>, transpose_lhs_hint = false} : vector<1024x64xf32>, vector<64x32xf32>, vector<1024x32xf32> -> vector<1024x32xf32>
      %get3A_275 = arith.constant 0 : index
      %get3A_276 = arith.constant 0 : index
      %get3A_277 = vector.load %arg9[%get3A_275, %get3A_276] : memref<1x32xf32, #tpu.memory_space<vmem>>, vector<1x32xf32>
      %add3A_278 = vector.broadcast %get3A_277 : vector<1x32xf32> to vector<1024x32xf32>
      %add3A_279 = arith.addf %dot_general3A_274, %add3A_278 : vector<1024x32xf32>
      %max3A_280 = arith.constant 0.000000e+00 : f32
      %max3A_281 = vector.broadcast %max3A_280 : f32 to vector<1024x32xf32>
      %max3A_282 = arith.maximumf %add3A_279, %max3A_281 : vector<1024x32xf32>
      %get3A_283 = arith.constant 0 : index
      %get3A_284 = arith.constant 0 : index
      %get3A_285 = vector.load %arg11[%get3A_283, %get3A_284] : memref<32x8xf32, #tpu.memory_space<vmem>>, vector<32x8xf32>
      %dot_general3A_286 = arith.constant dense<0.000000e+00> : vector<1024x8xf32>
      %dot_general3A_287 = tpu.matmul %max3A_282, %get3A_285, %dot_general3A_286 {dimension_numbers = #tpu.dot_dimension_numbers<[1], [0], [0], [1], [0, 0, 1, 1], [], []>, transpose_lhs_hint = false} : vector<1024x32xf32>, vector<32x8xf32>, vector<1024x8xf32> -> vector<1024x8xf32>
      %mul3A_288 = arith.constant 0.176776692 : f32
      %mul3A_289 = vector.broadcast %mul3A_288 : f32 to vector<1024x8xf32>
      %mul3A_290 = arith.mulf %dot_general3A_287, %mul3A_289 : vector<1024x8xf32>
      %reduce_max3A_291 = arith.constant dense<0xFF800000> : vector<1024xf32>
      %reduce_max3A_292 = vector.multi_reduction <maximumf>, %mul3A_290, %reduce_max3A_291 [1] : vector<1024x8xf32> to vector<1024xf32>
      %broadcast_in_dim3A_293 = vector.shape_cast %reduce_max3A_292 : vector<1024xf32> to vector<1024x1xf32>
      %sub3A_294 = vector.broadcast %broadcast_in_dim3A_293 : vector<1024x1xf32> to vector<1024x8xf32>
      %sub3A_295 = arith.subf %mul3A_290, %sub3A_294 : vector<1024x8xf32>
      %exp3A_296 = math.exp %sub3A_295 : vector<1024x8xf32>
      %reduce_sum3A_297 = arith.constant dense<0.000000e+00> : vector<1024xf32>
      %reduce_sum3A_298 = vector.multi_reduction <add>, %exp3A_296, %reduce_sum3A_297 [1] : vector<1024x8xf32> to vector<1024xf32>
      %broadcast_in_dim3A_299 = vector.shape_cast %reduce_sum3A_298 : vector<1024xf32> to vector<1024x1xf32>
      %div3A_300 = vector.broadcast %broadcast_in_dim3A_299 : vector<1024x1xf32> to vector<1024x8xf32>
      %div3A_301 = arith.divf %exp3A_296, %div3A_300 : vector<1024x8xf32>
      %get3A_302 = arith.constant 0 : index
      %get3A_303 = arith.constant 0 : index
      %get3A_304 = vector.load %arg10[%get3A_302, %get3A_303] : memref<8x32xf32, #tpu.memory_space<vmem>>, vector<8x32xf32>
      %dot_general3A_305 = arith.constant dense<0.000000e+00> : vector<1024x32xf32>
      %dot_general3A_306 = tpu.matmul %div3A_301, %get3A_304, %dot_general3A_305 {dimension_numbers = #tpu.dot_dimension_numbers<[1], [0], [0], [1], [0, 0, 1, 1], [], []>, transpose_lhs_hint = false} : vector<1024x8xf32>, vector<8x32xf32>, vector<1024x32xf32> -> vector<1024x32xf32>
      %get3A_307 = arith.constant 0 : index
      %get3A_308 = arith.constant 0 : index
      %get3A_309 = vector.load %arg12[%get3A_307, %get3A_308] : memref<32x32xf32, #tpu.memory_space<vmem>>, vector<32x32xf32>
      %dot_general3A_310 = arith.constant dense<0.000000e+00> : vector<1024x32xf32>
      %dot_general3A_311 = tpu.matmul %max3A_282, %get3A_309, %dot_general3A_310 {dimension_numbers = #tpu.dot_dimension_numbers<[1], [0], [0], [1], [0, 0, 1, 1], [], []>, transpose_lhs_hint = false} : vector<1024x32xf32>, vector<32x32xf32>, vector<1024x32xf32> -> vector<1024x32xf32>
      %get3A_312 = arith.constant 0 : index
      %get3A_313 = arith.constant 0 : index
      %get3A_314 = vector.load %arg13[%get3A_312, %get3A_313] : memref<1x32xf32, #tpu.memory_space<vmem>>, vector<1x32xf32>
      %add3A_315 = vector.broadcast %get3A_314 : vector<1x32xf32> to vector<1024x32xf32>
      %add3A_316 = arith.addf %dot_general3A_311, %add3A_315 : vector<1024x32xf32>
      %get3A_317 = arith.constant 0 : index
      %get3A_318 = arith.constant 0 : index
      %get3A_319 = vector.load %arg14[%get3A_317, %get3A_318] : memref<32x32xf32, #tpu.memory_space<vmem>>, vector<32x32xf32>
      %dot_general3A_320 = arith.constant dense<0.000000e+00> : vector<1024x32xf32>
      %dot_general3A_321 = tpu.matmul %dot_general3A_306, %get3A_319, %dot_general3A_320 {dimension_numbers = #tpu.dot_dimension_numbers<[1], [0], [0], [1], [0, 0, 1, 1], [], []>, transpose_lhs_hint = false} : vector<1024x32xf32>, vector<32x32xf32>, vector<1024x32xf32> -> vector<1024x32xf32>
      %get3A_322 = arith.constant 0 : index
      %get3A_323 = arith.constant 0 : index
      %get3A_324 = vector.load %arg15[%get3A_322, %get3A_323] : memref<1x32xf32, #tpu.memory_space<vmem>>, vector<1x32xf32>
      %add3A_325 = vector.broadcast %get3A_324 : vector<1x32xf32> to vector<1024x32xf32>
      %add3A_326 = arith.addf %dot_general3A_321, %add3A_325 : vector<1024x32xf32>
      %max3A_327 = arith.constant 0.000000e+00 : f32
      %max3A_328 = vector.broadcast %max3A_327 : f32 to vector<1024x32xf32>
      %max3A_329 = arith.maximumf %add3A_326, %max3A_328 : vector<1024x32xf32>
      %sub3A_330 = arith.subf %add3A_269, %max3A_329 : vector<1024x32xf32>
      %integer_pow3A = arith.mulf %sub3A_330, %sub3A_330 : vector<1024x32xf32>
      %reduce_sum3A_331 = arith.constant dense<0.000000e+00> : vector<1024xf32>
      %reduce_sum3A_332 = vector.multi_reduction <add>, %integer_pow3A, %reduce_sum3A_331 [1] : vector<1024x32xf32> to vector<1024xf32>
      %broadcast_in_dim3A_333 = vector.shape_cast %reduce_sum3A_332 : vector<1024xf32> to vector<1024x1xf32>
      %div3A_334 = arith.constant 3.200000e+01 : f32
      %div3A_335 = vector.broadcast %div3A_334 : f32 to vector<1024x1xf32>
      %div3A_336 = arith.divf %broadcast_in_dim3A_333, %div3A_335 : vector<1024x1xf32>
      %sub3A_337 = arith.subf %add3A_316, %max3A_329 : vector<1024x32xf32>
      %integer_pow3A_338 = arith.mulf %sub3A_337, %sub3A_337 : vector<1024x32xf32>
      %reduce_sum3A_339 = arith.constant dense<0.000000e+00> : vector<1024xf32>
      %reduce_sum3A_340 = vector.multi_reduction <add>, %integer_pow3A_338, %reduce_sum3A_339 [1] : vector<1024x32xf32> to vector<1024xf32>
      %broadcast_in_dim3A_341 = vector.shape_cast %reduce_sum3A_340 : vector<1024xf32> to vector<1024x1xf32>
      %div3A_342 = arith.constant 3.200000e+01 : f32
      %div3A_343 = vector.broadcast %div3A_342 : f32 to vector<1024x1xf32>
      %div3A_344 = arith.divf %broadcast_in_dim3A_341, %div3A_343 : vector<1024x1xf32>
      %broadcast_in_dim3A_345 = arith.constant 0.000000e+00 : f32
      %broadcast_in_dim3A_346 = vector.broadcast %broadcast_in_dim3A_345 : f32 to vector<1024x6xf32>
      %concatenate3A = tpu.concatenate %div3A_336, %div3A_344, %broadcast_in_dim3A_346 in 1 : vector<1024x1xf32>, vector<1024x1xf32>, vector<1024x6xf32> -> vector<1024x8xf32>
      %broadcast_in_dim3A_347 = arith.constant 1.000000e+00 : f32
      %broadcast_in_dim3A_348 = vector.broadcast %broadcast_in_dim3A_347 : f32 to vector<1024x1xf32>
      %concatenate3A_349 = tpu.concatenate %max3A_329, %broadcast_in_dim3A_348 in 1 : vector<1024x32xf32>, vector<1024x1xf32> -> vector<1024x33xf32>
      %swap3A_350 = arith.constant 0 : index
      %swap3A_351 = arith.constant 0 : index
      %swap3A_352 = vector.load %arg19[%swap3A_350, %swap3A_351] : memref<1024x33xf32, #tpu.memory_space<vmem>>, vector<1024x33xf32>
      tpu.vector_store %arg19[%swap3A_350, %swap3A_351], %concatenate3A_349 {strides = array<i32>} : memref<1024x33xf32, #tpu.memory_space<vmem>>, vector<1024x33xf32>,
      %swap3A_353 = arith.constant 0 : index
      %swap3A_354 = arith.constant 0 : index
      %swap3A_355 = vector.load %arg18[%swap3A_353, %swap3A_354] : memref<1024x8xf32, #tpu.memory_space<vmem>>, vector<1024x8xf32>
      tpu.vector_store %arg18[%swap3A_353, %swap3A_354], %concatenate3A {strides = array<i32>} : memref<1024x8xf32, #tpu.memory_space<vmem>>, vector<1024x8xf32>,
    } else {
    }
    %get3A = arith.constant 0 : index
    %get3A_2 = arith.constant 0 : index
    %get3A_3 = vector.load %arg16[%get3A, %get3A_2] : memref<33x2048xf32, #tpu.memory_space<vmem>>, vector<33x2048xf32>
    %get3A_4 = arith.constant 0 : index
    %get3A_5 = arith.constant 0 : index
    %get3A_6 = vector.load %arg19[%get3A_4, %get3A_5] : memref<1024x33xf32, #tpu.memory_space<vmem>>, vector<1024x33xf32>
    %dot_general3A = arith.constant dense<0.000000e+00> : vector<2048x1024xf32>
    %dot_general3A_7 = tpu.matmul %get3A_3, %get3A_6, %dot_general3A {dimension_numbers = #tpu.dot_dimension_numbers<[0], [1], [1], [0], [0, 1, 1, 0], [], []>, transpose_lhs_hint = false} : vector<33x2048xf32>, vector<1024x33xf32>, vector<2048x1024xf32> -> vector<2048x1024xf32>
    %swap3A = arith.constant 0 : index
    %swap3A_8 = arith.constant 0 : index
    %swap3A_9 = vector.load %arg17[%swap3A, %swap3A_8] : memref<2048x1024xf32, #tpu.memory_space<vmem>>, vector<2048x1024xf32>
    tpu.vector_store %arg17[%swap3A, %swap3A_8], %dot_general3A_7 {strides = array<i32>} : memref<2048x1024xf32, #tpu.memory_space<vmem>>, vector<2048x1024xf32>,
    return
  }
  func.func @transform_0(%arg0: i32) -> (i32, i32) {
    %c0_i32 = arith.constant 0 : i32
    %c0_i32_0 = arith.constant 0 : i32
    %c0_i32_1 = arith.constant 0 : i32
    return %c0_i32, %c0_i32_0 : i32, i32
  }
  func.func @transform_1(%arg0: i32) -> (i32, i32) {
    %c0_i32 = arith.constant 0 : i32
    %c0_i32_0 = arith.constant 0 : i32
    %c0_i32_1 = arith.constant 0 : i32
    return %c0_i32, %c0_i32_0 : i32, i32
  }
  func.func @transform_2(%arg0: i32) -> (i32, i32) {
    %c0_i32 = arith.constant 0 : i32
    %c0_i32_0 = arith.constant 0 : i32
    %c0_i32_1 = arith.constant 0 : i32
    return %c0_i32, %c0_i32_0 : i32, i32
  }
  func.func @transform_3(%arg0: i32) -> (i32, i32) {
    %c0_i32 = arith.constant 0 : i32
    %c0_i32_0 = arith.constant 0 : i32
    %c0_i32_1 = arith.constant 0 : i32
    return %c0_i32, %c0_i32_0 : i32, i32
  }
  func.func @transform_4(%arg0: i32) -> (i32, i32) {
    %c0_i32 = arith.constant 0 : i32
    %c0_i32_0 = arith.constant 0 : i32
    %c0_i32_1 = arith.constant 0 : i32
    return %c0_i32, %c0_i32_0 : i32, i32
  }
  func.func @transform_5(%arg0: i32) -> (i32, i32) {
    %c0_i32 = arith.constant 0 : i32
    %c0_i32_0 = arith.constant 0 : i32
    %c0_i32_1 = arith.constant 0 : i32
    return %c0_i32, %c0_i32_0 : i32, i32
  }
  func.func @transform_6(%arg0: i32) -> (i32, i32) {
    %c0_i32 = arith.constant 0 : i32
    %c0_i32_0 = arith.constant 0 : i32
    %c0_i32_1 = arith.constant 0 : i32
    return %c0_i32, %c0_i32_0 : i32, i32
  }
  func.func @transform_7(%arg0: i32) -> (i32, i32) {
    %c0_i32 = arith.constant 0 : i32
    %c0_i32_0 = arith.constant 0 : i32
    %c0_i32_1 = arith.constant 0 : i32
    return %c0_i32, %c0_i32_0 : i32, i32
  }
  func.func @transform_8(%arg0: i32) -> (i32, i32) {
    %c0_i32 = arith.constant 0 : i32
    %c0_i32_0 = arith.constant 0 : i32
    %c0_i32_1 = arith.constant 0 : i32
    return %c0_i32, %c0_i32_0 : i32, i32
  }
  func.func @transform_9(%arg0: i32) -> (i32, i32) {
    %c0_i32 = arith.constant 0 : i32
    %c0_i32_0 = arith.constant 0 : i32
    %c0_i32_1 = arith.constant 0 : i32
    return %c0_i32, %c0_i32_0 : i32, i32
  }
  func.func @transform_10(%arg0: i32) -> (i32, i32) {
    %c0_i32 = arith.constant 0 : i32
    %c0_i32_0 = arith.constant 0 : i32
    %c0_i32_1 = arith.constant 0 : i32
    return %c0_i32, %c0_i32_0 : i32, i32
  }
  func.func @transform_11(%arg0: i32) -> (i32, i32) {
    %c0_i32 = arith.constant 0 : i32
    %c0_i32_0 = arith.constant 0 : i32
    %c0_i32_1 = arith.constant 0 : i32
    return %c0_i32, %c0_i32_0 : i32, i32
  }
  func.func @transform_12(%arg0: i32) -> (i32, i32) {
    %c0_i32 = arith.constant 0 : i32
    %c0_i32_0 = arith.constant 0 : i32
    %c0_i32_1 = arith.constant 0 : i32
    return %c0_i32, %c0_i32_0 : i32, i32
  }
  func.func @transform_13(%arg0: i32) -> (i32, i32) {
    %c0_i32 = arith.constant 0 : i32
    %c0_i32_0 = arith.constant 0 : i32
    %c0_i32_1 = arith.constant 0 : i32
    return %c0_i32, %c0_i32_0 : i32, i32
  }
  func.func @transform_14(%arg0: i32) -> (i32, i32) {
    %c0_i32 = arith.constant 0 : i32
    %c0_i32_0 = arith.constant 0 : i32
    %c0_i32_1 = arith.constant 0 : i32
    return %c0_i32, %c0_i32_0 : i32, i32
  }
  func.func @transform_15(%arg0: i32) -> (i32, i32) {
    %c0_i32 = arith.constant 0 : i32
    %c0_i32_0 = arith.constant 0 : i32
    return %c0_i32, %arg0 : i32, i32
  }
  func.func @transform_16(%arg0: i32) -> (i32, i32) {
    %c0_i32 = arith.constant 0 : i32
    %c0_i32_0 = arith.constant 0 : i32
    return %arg0, %c0_i32 : i32, i32
  }
  func.func @transform_17(%arg0: i32) -> (i32, i32) {
    %c0_i32 = arith.constant 0 : i32
    %c0_i32_0 = arith.constant 0 : i32
    %c0_i32_1 = arith.constant 0 : i32
    return %c0_i32, %c0_i32_0 : i32, i32
  }
}

</mosaic_0001>

<sc_bundles>
// kernel: kernel.4.cloned.1.call-start
scs
__scs_entry_jumppad:
0x0: {  	(pc) =	sbr.rel $0x88, $3  }
0x1: {  	(tag) =	ssettag $0x0;
	lr =	simm.s32 $0x1  }
0x2: {  	[smem:$0x3F91] =	sst lr;
	_ =	strace $0xD0000000  }
0x3: {  	_ = 	snop  }
0x4: {  	_ = 	snop  }
0x5: {  	_ = 	snop  }
0x6: {  	_ = 	snop  }
0x7: {  	_ = 	snop  }
__scs_overlays_trampoline_lowered:
0x8: {  	[smem:$0x3FA0] =	sst s0  }
0x9: {  	[smem:$0x3FA1] =	sst s1  }
0xa: {  	[smem:$0x3FA2] =	sst s2  }
0xb: {  	[smem:$0x3FA3] =	sst s3  }
0xc: {  	[smem:$0x3FA4] =	sst s4  }
0xd: {  	[smem:$0x3FA5] =	sst s5  }
0xe: {  	[smem:$0x3FA6] =	sst s6  }
0xf: {  	[smem:$0x3FA7] =	sst s7  }
0x10: {  	[smem:$0x3FA8] =	sst s8  }
0x11: {  	[smem:$0x3FA9] =	sst s9;
	s0 =	simm.s32 @!p0 $0x0  }
0x12: {  	s1 =	sld [smem:$0x3F8F];
	s0 =	simm.s32 @p0 $0x1  }
0x13: {  	[smem:$0x3FAA] =	sst s0;
	s0 =	simm.s32 @!p1 $0x0  }
0x14: {  	s2 =	sld [smem:$0x3F8E];
	s0 =	simm.s32 @p1 $0x1  }
0x15: {  	[smem:$0x3FAB] =	sst s0;
	s0 =	simm.s32 @!p2 $0x0  }
0x16: {  	s3 =	sld [smem:$0x3FDB];
	s0 =	simm.s32 @p2 $0x1  }
0x17: {  	s4 =	simm.s32 $0x1BF5;
	[smem:$0x3FAD] =	sst s0  }
0x18: {  	s0 =	sld [smem:$0x3F90];
	_ =	swait.ge [sflag:s4], $0x0  }
0x19: {  	s7 =	sld [smem:$0x3F91]  }
0x1a: {  	s8 =	sadd.s32 $0xFFFFE003, lr  }
0x1b: {  	s9 =	sadd.s32 $0xFFFFFEF7, lr;
	s5 =	simm.s32 $0xFFFFFFFF;
	p2 =	slt.u32 s8, $0xFFFFF086  }
0x1c: {  	p1 =	slt.u32 s9, $0xF7A;
	s5 =	simm.s32 @!p2 $0x0  }
0x1d: {  	s5 =	simm.s32 @p1 $0x1;
	p0 =	seq.s32 s7, s2  }
0x1e: {  	s7 =	smul.u32 @!p0 $0xF7A, s2;
	p2 =	seq.s32 @!p0 s5, $0x0  }
0x1f: {  	s9 =	smul.u32 $0xF7A, s1;
	s8 =	simm.s32 @!p0 $0x1BF5;
	p2 =	por !p2, p0  }
0x20: {  	[sflag:s8] =	ssyncset.s32 @!p0 $0xFFFFF086;
	s6 =	sadd.s32 @!p0 s3, s7;
	s7 =	simm.s32 @!p0 $0x108  }
0x21: {  	s3 =	sadd.s32 s3, s9;
	s6 =	sadd.s32 @!p0 $0x88, s6;
	s7 =	simm.s32 @p2 $0x1082  }
0x22: {  	[simem:s7], [sflag:s8] =	dma.local @!p0 [hbm:s6], $0xF7A  }
0x23: {  	s9 =	sor.u32 $0xD0000000, s2;
	s6 =	simm.s32 $0x108;
	_ =	swait.ge @!p0 [sflag:s8], $0x0  }
0x24: {  	s3 =	sadd.s32 $0x88, s3;
	s6 =	simm.s32 @!p1 $0x1082;
	[sflag:s4] =	ssyncset.s32 $0xFFFFF086  }
0x25: {  	[simem:s6], [sflag:s4] =	dma.local [hbm:s3], $0xF7A  }
0x26: {  	[smem:$0x3F91] =	sst s1;
	(tag) =	ssettag s2;
	_ =	strace s9  }
0x27: {  	s1 =	sld [smem:$0x3FA1]  }
0x28: {  	s2 =	sld [smem:$0x3FA2]  }
0x29: {  	s4 =	sld [smem:$0x3FA4]  }
0x2a: {  	p0 =	seq.s32 s5, $0x0;
	s5 =	sld [smem:$0x3FA5]  }
0x2b: {  	s6 =	sld [smem:$0x3FA6]  }
0x2c: {  	s7 =	sld [smem:$0x3FA7]  }
0x2d: {  	s3 =	simm.s32 $0x108;
	s8 =	sld [smem:$0x3FA8]  }
0x2e: {  	s3 =	simm.s32 @!p0 $0x1082;
	s9 =	sld [smem:$0x3FA9]  }
0x2f: {  	lr =	sadd.s32 s0, s3;
	s0 =	sld [smem:$0x3FA0]  }
0x30: {  	s3 =	sld [smem:$0x3FA3]  }
0x31: {  	[smem:$0x3FAC] =	sst s10  }
0x32: {  	s10 =	sld [smem:$0x3FAA];
	_ =	sdelay $0x3  }
0x33: {  	p0 =	seq.s32 s10, $0x1;
	s10 =	sld [smem:$0x3FAC];
	_ =	sdelay $0x3  }
0x34: {  	[smem:$0x3FAC] =	sst s10  }
0x35: {  	s10 =	sld [smem:$0x3FAB];
	_ =	sdelay $0x3  }
0x36: {  	p1 =	seq.s32 s10, $0x1;
	s10 =	sld [smem:$0x3FAC];
	_ =	sdelay $0x3  }
0x37: {  	[smem:$0x3FAC] =	sst s10  }
0x38: {  	s10 =	sld [smem:$0x3FAD]  }
0x39: {  	_ = 	snop;
	(pc) =	sbr.ind lr, $3  }
0x3a: {  	_ = 	snop  }
0x3b: {  	_ = 	snop  }
0x3c: {  	p2 =	seq.s32 s10, $0x1;
	s10 =	sld [smem:$0x3FAC]  }
0x3d: {  	_ =	shalt  }
0x3e: {  	_ =	shalt  }
0x3f: {  	_ =	shalt  }
0x40: {  	_ =	shalt  }
0x41: {  	_ =	shalt  }
0x42: {  	_ =	shalt  }
0x43: {  	_ =	shalt  }
0x44: {  	_ =	shalt  }
0x45: {  	_ =	shalt  }
0x46: {  	_ =	shalt  }
0x47: {  	_ =	shalt  }
0x48: {  	_ =	shalt  }
0x49: {  	_ =	shalt  }
0x4a: {  	_ =	shalt  }
0x4b: {  	_ =	shalt  }
0x4c: {  	_ =	shalt  }
0x4d: {  	_ =	shalt  }
0x4e: {  	_ =	shalt  }
0x4f: {  	_ =	shalt  }
0x50: {  	_ =	shalt  }
0x51: {  	_ =	shalt  }
0x52: {  	_ =	shalt  }
0x53: {  	_ =	shalt  }
0x54: {  	_ =	shalt  }
0x55: {  	_ =	shalt  }
0x56: {  	_ =	shalt  }
0x57: {  	_ =	shalt  }
0x58: {  	_ =	shalt  }
0x59: {  	_ =	shalt  }
0x5a: {  	_ =	shalt  }
0x5b: {  	_ =	shalt  }
0x5c: {  	_ =	shalt  }
0x5d: {  	_ =	shalt  }
0x5e: {  	_ =	shalt  }
0x5f: {  	_ =	shalt  }
0x60: {  	_ =	shalt  }
0x61: {  	_ =	shalt  }
0x62: {  	_ =	shalt  }
0x63: {  	_ =	shalt  }
0x64: {  	_ =	shalt  }
0x65: {  	_ =	shalt  }
0x66: {  	_ =	shalt  }
0x67: {  	_ =	shalt  }
0x68: {  	_ =	shalt  }
0x69: {  	_ =	shalt  }
0x6a: {  	_ =	shalt  }
0x6b: {  	_ =	shalt  }
0x6c: {  	_ =	shalt  }
0x6d: {  	_ =	shalt  }
0x6e: {  	_ =	shalt  }
0x6f: {  	_ =	shalt  }
0x70: {  	_ =	shalt  }
0x71: {  	_ =	shalt  }
0x72: {  	_ =	shalt  }
0x73: {  	_ =	shalt  }
0x74: {  	_ =	shalt  }
0x75: {  	_ =	shalt  }
0x76: {  	_ =	shalt  }
0x77: {  	_ =	shalt  }
0x78: {  	_ =	shalt  }
0x79: {  	_ =	shalt  }
0x7a: {  	_ =	shalt  }
0x7b: {  	_ =	shalt  }
0x7c: {  	_ =	shalt  }
0x7d: {  	_ =	shalt  }
0x7e: {  	_ =	shalt  }
0x7f: {  	_ =	shalt  }
0x80: {  	_ =	shalt  }
0x81: {  	_ =	shalt  }
0x82: {  	_ =	shalt  }
0x83: {  	_ =	shalt  }
0x84: {  	_ =	shalt  }
0x85: {  	_ =	shalt  }
0x86: {  	_ =	shalt  }
0x87: {  	_ =	shalt  }
.Lfunc_end0:
.L_simem_size_0:
called_computation_lowered:
.L_overlay_start_0:
0x88: {  	s2 =	sld [smem:$0x3FD9]  }
0x89: {  	s3 =	sld [smem:$0x3FFE];
	_ =	sdelay $0x1  }
0x8a: {  	s1 =	srdreg.scid  }
0x8b: {  	s0 =	sand.u32 $0x1, s1  }
0x8c: {  	s14 =	sshll.u32 s0, $0xA;
	s2 =	sadd.s32 s3, s2  }
0x8d: {  	s2 =	sadd.s32 s2, s14  }
0x8e: {  	[smem:$0x3FB8] =	sst s2  }
0x8f: {  	_ = 	snop  }
0x90: {  	s2 =	sld [smem:$0x3FD0];
	_ =	sdelay $0x2  }
0x91: {  	s15 =	simm.s32 $0xA;
	s4 =	simm.s32 $0x10  }
0x92: {  	[smem:s4], [sflag:s15] =	dma.local [hbm:s2], $0x1  }
0x93: {  	_ =	swait.eq [sflag:s15], $0x1  }
0x94: {  	[sflag:s15] =	ssyncset.done $0x0  }
0x95: {  	[sflag:s15] =	ssyncadd.s32 $0xFFFFFFFF  }
0x96: {  	s16 =	sld [smem:$0x10];
	(tm) =	ssettm $0x1  }
0x97: {  	s17 =	sld [smem:$0x3FFB];
	_ =	sdelay $0x3  }
0x98: {  	_ =	strace s17  }
0x99: {  	s3 =	sld [smem:$0x3FFC];
	_ =	sdelay $0x3  }
0x9a: {  	_ =	strace s3  }
0x9b: {  	s3 =	sld [smem:$0x3FFD];
	_ =	sdelay $0x3  }
0x9c: {  	_ =	strace s3  }
0x9d: {  	_ =	strace $0x8FFFFFFF  }
0x9e: {  	s18 =	sld [smem:$0x3FDB];
	_ =	sdelay $0x1  }
0x9f: {  	s19 =	simm.s32 $_scs_section_size  }
0xa0: {  	s5 =	simm.s32 $_size__tile_overlayer_lowered;
	s6 =	simm.s32 $_tile_overlayer_lowered  }
0xa1: {  	s22 =	simm.s32 $0x1BFF;
	s21 =	sshll.u32 s6, $0x1;
	s3 =	sadd.s32 s19, s18  }
0xa2: {  	s7 =	simm.s32 $0x0;
	s20 =	sshll.u32 s5, $0x1;
	s5 =	sadd.s32 s21, s3  }
0xa3: {  	[timem:s7], [sflag:s22] =	dma.local [hbm:s5], s20  }
0xa4: {  	_ =	swait.ge [sflag:s22], s20  }
0xa5: {  	s4 =	ssub.s32 $0x0, s20;
	[sflag:s22] =	ssyncset.done $0x0  }
0xa6: {  	[sflag:s22] =	ssyncadd.s32 s4;
	_ =	sdelay $0x1  }
0xa7: {  	s23 =	simm.s32 $0x1B8B  }
0xa8: {  	_ =	swait.ge [sflag:s23], $0x1  }
0xa9: {  	[sflag:s23] =	ssyncset.done $0x0  }
0xaa: {  	s25 =	simm.s32 $0x1B8E;
	s24 =	sld [smem:$0x3FFE];
	[sflag:s23] =	ssyncadd.s32 $0xFFFFFFFF  }
0xab: {  	s26 =	simm.s32 $execute0_lowered;
	[smem:$0x3FD2] =	sst s25  }
0xac: {  	s5 =	sshll.u32 s26, $0x1;
	_ =	strace $0x80000046;
	[dreg:$0x1] =	wrdreg $0xFFFFFFFF  }
0xad: {  	s28 =	simm.s32 $_size_execute0_lowered;
	s3 =	sadd.s32 s3, s5;
	[dreg:$0x0] =	wrdreg $0x0  }
0xae: {  	s5 =	sshll.u32 s28, $0x1;
	[dreg:$0x2] =	wrdreg s3  }
0xaf: {  	[dreg:$0x3] =	wrdreg s5  }
0xb0: {  	[dreg:$0x4] =	wrdreg $0xC0  }
0xb1: {  	_ =	task [dreg:s7], $0x5FFFF  }
0xb2: {  	[dreg:$0x1] =	wrdreg $0xFFFFFFFF  }
0xb3: {  	[dreg:$0x0] =	wrdreg $0x60  }
0xb4: {  	[dreg:$0x2] =	wrdreg s24  }
0xb5: {  	[dreg:$0x3] =	wrdreg s16  }
0xb6: {  	[dreg:$0x4] =	wrdreg $0x9  }
0xb7: {  	_ =	task.clear_ibuf [dreg:s7], $0x5FFFF;
	_ =	strace $0x90000046  }
0xb8: {  	s29 =	simm.s32 $0x9;
	_ =	strace $0x80000048  }
0xb9: {  	_ =	swait.ge [sflag:s29], $0x1  }
0xba: {  	[sflag:s29] =	ssyncadd.s32 $0xFFFFFFFF  }
0xbb: {  	_ =	strace $0x90000048  }
0xbc: {  	_ =	sfence  }
0xbd: {  	s30 =	sld [smem:$0x0];
	_ =	sdelay $0x2  }
0xbe: {  	s31 =	sshll.u32 s1, $0xD;
	s1 =	sshrl.u32 s1, $0x2  }
0xbf: {  	s3 =	sand.u32 $0x4000, s31;
	s1 =	sadd.s32 s1, s30  }
0xc0: {  	s0 =	sor.u32 s3, s0;
	s1 =	sshll.u32 s1, $0x11  }
0xc1: {  	s0 =	sor.u32 s1, s0  }
0xc2: {  	s0 =	sadd.s32 $0x8F2B, s0  }
0xc3: {  	[sflag:s0] =	ssyncadd.remote.s32 $0x1  }
0xc4: {  	_ =	sfence.sel $0xFFFF  }
0xc5: {  	[dreg:$0x0] =	wrdreg $0xFFFFFFFF;
	(pc) =	sbr.abs _section_cstart, $3  }
0xc6: {  	[dreg:$0x1] =	wrdreg $0xFFFFFFFF  }
0xc7: {  	_ =	task.clear_ibuf [dreg:s7], $0x2FFFF;
	_ =	strace $0x9FFFFFFF  }
0xc8: {  	(tm) =	ssettm $0x7FFFFFFF  }
0xc9: {  	_ =	shalt  }
tec
execute0_lowered:
.L_overlay_start_1:
0x0: {  	(tag) =	ssettag $0x1  }
0x1: {  	s1 =	srdreg.scid;
	s0 =	stileid.u32  }
0x2: {  	s18 =	sand.u32 $0x1, s1;
	s30 =	sshll.u32 s0, $0x1  }
0x3: {  	s12 =	sor.u32 s18, s30  }
0x4: {  	s5 =	rddreg [dreg:$0x0];
	s3 =	smul.u32 $0x320, s12  }
0x5: {  	s14 =	rddreg [dreg:$0x1];
	s2 =	simm.s32 $0x0  }
0x6: {  	s4 =	simm.s32 $0x5;
	[smem:$0x7FF] =	sst s2;
	s3 =	sadd.s32 s3, s5  }
0x7: {  	s1 =	rddreg [dreg:$0x2];
	_ =	strace $0x80000047;
	s3 =	sadd.s32 $0x3200, s3  }
0x8: {  	[tilespmem:s2], [sflag:$0x5] =	stream.linear.gather [hbm4b:s3+s2], $0x1900, $0x38;
	[tilespmem:$0xE100] =	vst v63  }
0x9: {  	_ =	swait.ge [sflag:s4], $0x1900  }
0xa: {  	s6 =	simm.s32 $0x640;
	[sflag:s4] =	ssyncset.done $0x0  }
0xb: {  	s7 =	simm.s32 $0x1900;
	s5 =	sadd.s32 $0x9600, s5;
	[sflag:s4] =	ssyncadd.s32 $0xFFFFE700  }
0xc: {  	[tilespmem:s7], [sflag:$0x1] =	stream.indirect.gather [hbm4b:s5+s6], $0x10, s2, s6, $0xb8;
	[tilespmem:$0xE100] =	vst v63  }
0xd: {  	s8 =	simm.s32 $0x7D00;
	s9 =	simm.s32 $0x1  }
0xe: {  	[tilespmem:s8], [sflag:$0x2] =	stream.indirect.gather [hbm4b:s5+s6], $0x10, s6, s6, $0xb8;
	[tilespmem:$0xE100] =	vst v63  }
0xf: {  	s10 =	smul.u32 $0x3200, s12;
	_ =	swait.ge [sflag:s9], $0x6400  }
0x10: {  	[sflag:s9] =	ssyncset.done $0x0  }
0x11: {  	s11 =	simm.s32 $0x3;
	s10 =	sadd.s32 s14, s10;
	[sflag:s9] =	ssyncadd.s32 $0xFFFF9C00  }
0x12: {  	[hbm4b:s10+s2] =	stream.linear.scatter [tilespmem:s7], [sflag:$0x3], $0x6400, $0x38;
	[tilespmem:$0xE100] =	vst v63  }
0x13: {  	_ =	swait.ge [sflag:s11], $0x6400  }
0x14: {  	s13 =	simm.s32 $0x2;
	[sflag:s11] =	ssyncset.done $0x0  }
0x15: {  	s15 =	smul.u32 $0x19000, s12;
	s12 =	simm.s32 $0xC80;
	[sflag:s11] =	ssyncadd.s32 $0xFFFF9C00  }
0x16: {  	[tilespmem:s7], [sflag:$0x1] =	stream.indirect.gather [hbm4b:s5+s6], $0x10, s12, s6, $0xb8;
	[tilespmem:$0xE100] =	vst v63  }
0x17: {  	s15 =	sshrl.u32 s15, $0x3;
	_ =	swait.ge [sflag:s13], $0x6400  }
0x18: {  	s19 =	sadd.s32 s14, s15;
	[sflag:s13] =	ssyncset.done $0x0  }
0x19: {  	s14 =	simm.s32 $0x4;
	s15 =	sadd.s32 $0xC80, s19;
	[sflag:s13] =	ssyncadd.s32 $0xFFFF9C00  }
0x1a: {  	[hbm4b:s15+s2] =	stream.linear.scatter [tilespmem:s8], [sflag:$0x4], $0x6400, $0x38;
	[tilespmem:$0xE100] =	vst v63  }
0x1b: {  	_ =	swait.ge [sflag:s14], $0x6400  }
0x1c: {  	[sflag:s14] =	ssyncset.done $0x0  }
0x1d: {  	s16 =	simm.s32 $0x12C0;
	[sflag:s14] =	ssyncadd.s32 $0xFFFF9C00  }
0x1e: {  	[tilespmem:s8], [sflag:$0x2] =	stream.indirect.gather [hbm4b:s5+s6], $0x10, s16, s6, $0xb8;
	[tilespmem:$0xE100] =	vst v63  }
0x1f: {  	_ =	swait.ge [sflag:s9], $0x6400  }
0x20: {  	s20 =	ssub.s32 $0x2, s18;
	[sflag:s9] =	ssyncset.done $0x0  }
0x21: {  	s31 =	sshrl.u32 s20, $0x1;
	s17 =	sadd.s32 $0x1900, s19;
	[sflag:s9] =	ssyncadd.s32 $0xFFFF9C00  }
0x22: {  	[hbm4b:s17+s2] =	stream.linear.scatter [tilespmem:s7], [sflag:$0x3], $0x6400, $0x38;
	[tilespmem:$0xE100] =	vst v63  }
0x23: {  	s18 =	sadd.s32 $0x2580, s19;
	s19 =	ssub.s32 s20, s31;
	_ =	swait.ge [sflag:s13], $0x6400  }
0x24: {  	s19 =	smax.u32 s19, $0x1;
	[sflag:s13] =	ssyncset.done $0x0  }
0x25: {  	p0 =	sne.s32 s19, $0x1;
	[sflag:s13] =	ssyncadd.s32 $0xFFFF9C00  }
0x26: {  	[hbm4b:s18+s2] =	stream.linear.scatter [tilespmem:s8], [sflag:$0x4], $0x6400, $0x38;
	[tilespmem:$0xE100] =	vst v63  }
.Ltmp0:
0x27: {  	_ =	swait.ge [sflag:s11], $0x6400;
	(pc) =	sbr.rel @!p0 .LBB2_2-.Ltmp0, $4  }
0x28: {  	[sflag:s11] =	ssyncset.done $0x0  }
0x29: {  	[sflag:s11] =	ssyncadd.s32 $0xFFFF9C00  }
0x2a: {  	_ =	swait.ge [sflag:s14], $0x6400  }
0x2b: {  	s19 =	sadd.s32 $0xFFFFFFFF, s19;
	[sflag:s14] =	ssyncset.done $0x0  }
.LBB2_1:
0x2c: {  	p0 =	sne.s32 s19, $0x1;
	s19 =	sadd.s32 $0xFFFFFFFF, s19;
	[sflag:s14] =	ssyncadd.s32 $0xFFFF9C00  }
0x2d: {  	[tilespmem:s2], [sflag:$0x5] =	stream.linear.gather [hbm4b:s3+s2], $0x1900, $0x38;
	[tilespmem:$0xE100] =	vst v63  }
0x2e: {  	_ =	swait.ge [sflag:s4], $0x1900  }
0x2f: {  	[sflag:s4] =	ssyncset.done $0x0  }
0x30: {  	[sflag:s4] =	ssyncadd.s32 $0xFFFFE700  }
0x31: {  	[tilespmem:s7], [sflag:$0x1] =	stream.indirect.gather [hbm4b:s5+s6], $0x10, s2, s6, $0xb8;
	[tilespmem:$0xE100] =	vst v63  }
0x32: {  	_ = 	snop  }
0x33: {  	[tilespmem:s8], [sflag:$0x2] =	stream.indirect.gather [hbm4b:s5+s6], $0x10, s6, s6, $0xb8;
	[tilespmem:$0xE100] =	vst v63  }
0x34: {  	_ =	swait.ge [sflag:s9], $0x6400  }
0x35: {  	[sflag:s9] =	ssyncset.done $0x0  }
0x36: {  	[sflag:s9] =	ssyncadd.s32 $0xFFFF9C00  }
0x37: {  	[hbm4b:s10+s2] =	stream.linear.scatter [tilespmem:s7], [sflag:$0x3], $0x6400, $0x38;
	[tilespmem:$0xE100] =	vst v63  }
0x38: {  	_ =	swait.ge [sflag:s11], $0x6400  }
0x39: {  	[sflag:s11] =	ssyncset.done $0x0  }
0x3a: {  	[sflag:s11] =	ssyncadd.s32 $0xFFFF9C00  }
0x3b: {  	[tilespmem:s7], [sflag:$0x1] =	stream.indirect.gather [hbm4b:s5+s6], $0x10, s12, s6, $0xb8;
	[tilespmem:$0xE100] =	vst v63  }
0x3c: {  	_ =	swait.ge [sflag:s13], $0x6400  }
0x3d: {  	[sflag:s13] =	ssyncset.done $0x0  }
0x3e: {  	[sflag:s13] =	ssyncadd.s32 $0xFFFF9C00  }
0x3f: {  	[hbm4b:s15+s2] =	stream.linear.scatter [tilespmem:s8], [sflag:$0x4], $0x6400, $0x38;
	[tilespmem:$0xE100] =	vst v63  }
0x40: {  	_ =	swait.ge [sflag:s14], $0x6400  }
0x41: {  	[sflag:s14] =	ssyncset.done $0x0  }
0x42: {  	[sflag:s14] =	ssyncadd.s32 $0xFFFF9C00  }
0x43: {  	[tilespmem:s8], [sflag:$0x2] =	stream.indirect.gather [hbm4b:s5+s6], $0x10, s16, s6, $0xb8;
	[tilespmem:$0xE100] =	vst v63  }
0x44: {  	_ =	swait.ge [sflag:s9], $0x6400  }
0x45: {  	[sflag:s9] =	ssyncset.done $0x0  }
0x46: {  	[sflag:s9] =	ssyncadd.s32 $0xFFFF9C00  }
0x47: {  	[hbm4b:s17+s2] =	stream.linear.scatter [tilespmem:s7], [sflag:$0x3], $0x6400, $0x38;
	[tilespmem:$0xE100] =	vst v63  }
0x48: {  	_ =	swait.ge [sflag:s13], $0x6400  }
0x49: {  	[sflag:s13] =	ssyncset.done $0x0  }
0x4a: {  	[sflag:s13] =	ssyncadd.s32 $0xFFFF9C00  }
0x4b: {  	[hbm4b:s18+s2] =	stream.linear.scatter [tilespmem:s8], [sflag:$0x4], $0x6400, $0x38;
	[tilespmem:$0xE100] =	vst v63  }
.Ltmp1:
0x4c: {  	_ =	swait.ge [sflag:s11], $0x6400;
	(pc) =	sbr.rel @p0 .LBB2_1-.Ltmp1, $4  }
0x4d: {  	[sflag:s11] =	ssyncset.done $0x0  }
0x4e: {  	[sflag:s11] =	ssyncadd.s32 $0xFFFF9C00  }
0x4f: {  	_ =	swait.ge [sflag:s14], $0x6400  }
0x50: {  	[sflag:s14] =	ssyncset.done $0x0  }
.LBB2_2:
0x51: {  	[sflag:s14] =	ssyncadd.s32 $0xFFFF9C00  }
0x52: {  	_ =	sfence.sel $0x180000  }
0x53: {  	[bflag:$0x0] =	sbarrier.arrive $0xFFFF  }
0x54: {  	p0 =	sne.s32 s0, $0x0;
	_ =	strace $0x90000047  }
0x55: {  	s0 =	sadd.s32 @!p0 $0x100000, s1;
	[bflag:$0x2] =	sbarrier.arrive $0xFFFF  }
0x56: {  	[sflag:s0] =	ssyncadd.tile.s32 @!p0 $0x1;
	_ =	shalt  }
.Lfunc_end2:
_tile_overlayer_lowered:
.L_overlay_start_2:
0x57: {  	(tag) =	ssettag $0x2  }
0x58: {  	s0 =	rddreg [dreg:$0x0];
	s2 =	stileid.u32  }
0x59: {  	s1 =	rddreg [dreg:$0x1];
	p0 =	sne.s32 s2, $0x0  }
0x5a: {  	s3 =	rddreg [dreg:$0x2];
	[bflag:$0x3] =	sbarrier.arrive $0xFFFF;
	s2 =	simm.s32 @!p0 $0x1C05  }
0x5b: {  	[timem:s3], [sflag:s2] =	dma.local @!p0 [hbm:s0], s1  }
0x5c: {  	s0 =	simm.s32 @!p0 $0x5  }
0x5d: {  	_ =	swait.ge @!p0 [sflag:s0], s1  }
0x5e: {  	s1 =	ssub.s32 @!p0 $0x0, s1;
	[sflag:s0] =	ssyncset.done @!p0 $0x0  }
0x5f: {  	[sflag:s0] =	ssyncadd.s32 @!p0 s1  }
0x60: {  	[bflag:$0x3] =	sbarrier.arrive $0xFFFF  }
0x61: {  	_ =	shalt  }

</sc_bundles>
